<compile_context>
chip_gen: v7x
topology: tpu7x:2x2x1
jax: 0.10.2.dev20260603
libtpu: 0.0.44.dev20260713+nightly
codegen_flags: <defaults>
</compile_context>

<pallas_src>
import functools

import jax
import jax.numpy as jnp
from jax import lax
from jax.experimental import pallas as pl
from jax.experimental.pallas import tpu as pltpu
from jax.experimental.pallas import tpu_sc as plsc

_NC = 2
_NS = 16
_NW = _NC * _NS
_F = 4
_CE = 2000
_UN = 5


def _mesh():
    return plsc.VectorSubcoreMesh(
        core_axis_name="c", subcore_axis_name="s",
        num_cores=_NC, num_subcores=_NS)


def _sc_degree(dst_flat, ew_flat, n_nodes):
    e_total = dst_flat.shape[0]
    epw = e_total // _NW
    nvec = epw // 16
    nz = n_nodes // 16

    @functools.partial(
        pl.kernel,
        out_type=jax.ShapeDtypeStruct((_NW, n_nodes), jnp.float32),
        mesh=_mesh(),
        compiler_params=pltpu.CompilerParams(needs_layout_passes=False),
        scratch_types=[
            pltpu.VMEM((epw,), jnp.int32),
            pltpu.VMEM((epw,), jnp.float32),
            pltpu.VMEM((n_nodes,), jnp.float32),
        ],
    )
    def deg_kernel(dst_hbm, ew_hbm, out_hbm, idx_v, w_v, deg_v):
        c = lax.axis_index("c")
        s = lax.axis_index("s")
        t = c * _NS + s
        pltpu.sync_copy(dst_hbm.at[pl.ds(t * epw, epw)], idx_v)
        pltpu.sync_copy(ew_hbm.at[pl.ds(t * epw, epw)], w_v)
        zeros = jnp.zeros((16,), jnp.float32)

        def zbody(i, carry):
            deg_v[pl.ds(i * 16, 16)] = zeros
            return carry
        lax.fori_loop(0, nz, zbody, 0)

        @plsc.parallel_loop(0, nvec, step=1, unroll=5)
        def _(i):
            idx = idx_v[pl.ds(i * 16, 16)]
            w = w_v[pl.ds(i * 16, 16)]
            plsc.addupdate_scatter(deg_v, [idx], w)
        pltpu.sync_copy(deg_v, out_hbm.at[t])

    return deg_kernel(dst_flat, ew_flat)


def _sc_propagate(table_t, epk, ew, n_nodes):
    h = table_t.shape[0]
    e_total = epk.shape[0]
    owners = h // _F
    es = _NS // owners
    npart = _NC * es
    ept = e_total // npart
    nchunk = ept // _CE
    nvec = _CE // 16
    nz = n_nodes // 16
    assert ept % _CE == 0 and _NS % owners == 0

    @functools.partial(
        pl.kernel,
        out_type=jax.ShapeDtypeStruct((npart, h, n_nodes), jnp.float32),
        mesh=_mesh(),
        compiler_params=pltpu.CompilerParams(needs_layout_passes=False,
                                             use_tc_tiling_on_sc=False),
        scratch_types=(
            [pltpu.VMEM((n_nodes,), jnp.float32) for _ in range(2 * _F)]
            + [pltpu.VMEM((2 * _CE,), jnp.int32),
               pltpu.VMEM((2 * _CE,), jnp.float32),
               pltpu.SemaphoreType.DMA]
        ),
    )
    def prop_kernel(tbl_hbm, epk_hbm, ew_hbm, out_hbm, *rest):
        tbl = rest[:_F]
        acc = rest[_F:2 * _F]
        epk_v = rest[2 * _F]
        ew_v = rest[2 * _F + 1]
        sem = rest[2 * _F + 2]
        c = lax.axis_index("c")
        s = lax.axis_index("s")
        o = lax.rem(s, owners)
        sub = lax.div(s, owners)
        part = c * es + sub
        fo = o * _F
        eb = part * ept

        def stage_start(k):
            off = eb + k * _CE
            slot = lax.rem(k, 2) * _CE
            pltpu.async_copy(epk_hbm.at[pl.ds(off, _CE)],
                             epk_v.at[pl.ds(slot, _CE)], sem)
            pltpu.async_copy(ew_hbm.at[pl.ds(off, _CE)],
                             ew_v.at[pl.ds(slot, _CE)], sem)

        def stage_wait(k):
            off = eb + k * _CE
            slot = lax.rem(k, 2) * _CE
            pltpu.make_async_copy(epk_hbm.at[pl.ds(off, _CE)],
                                  epk_v.at[pl.ds(slot, _CE)], sem).wait()
            pltpu.make_async_copy(ew_hbm.at[pl.ds(off, _CE)],
                                  ew_v.at[pl.ds(slot, _CE)], sem).wait()

        stage_start(0)
        for f in range(_F):
            pltpu.sync_copy(tbl_hbm.at[fo + f], tbl[f])
        zeros = jnp.zeros((16,), jnp.float32)

        def zbody(i, carry):
            for f in range(_F):
                acc[f][pl.ds(i * 16, 16)] = zeros
            return carry
        lax.fori_loop(0, nz, zbody, 0)

        def chunk(k, carry):
            stage_wait(k)

            @pl.when(k + 1 < nchunk)
            def _():
                stage_start(k + 1)
            base = lax.rem(k, 2) * _CE

            @plsc.parallel_loop(0, nvec, step=1, unroll=_UN)
            def _(v):
                off = base + v * 16
                pk = epk_v[pl.ds(off, 16)]
                w = ew_v[pl.ds(off, 16)]
                src16 = lax.bitwise_and(pk, 0xFFFF)
                dst16 = lax.shift_right_logical(pk, 16)
                for f in range(_F):
                    vals = plsc.load_gather(tbl[f], [src16])
                    plsc.addupdate_scatter(acc[f], [dst16], vals * w)
            return carry
        lax.fori_loop(0, nchunk, chunk, 0)

        for f in range(_F):
            pltpu.sync_copy(acc[f], out_hbm.at[part, fo + f])

    return prop_kernel(table_t, epk, ew)


def _tc_mm(x, w1, edge_index):
    n = x.shape[0]
    h1 = w1.shape[1]
    e_total = edge_index.shape[1]

    def body(x_ref, w_ref, ei_ref, s_ref, epk_ref):
        s_ref[...] = lax.dot_general(w_ref[...], x_ref[...],
                                     (((0,), (1,)), ((), ())),
                                     preferred_element_type=jnp.float32)
        epk_ref[...] = jnp.bitwise_or(ei_ref[0],
                                      jnp.left_shift(ei_ref[1], 16))

    return pl.pallas_call(
        body,
        out_shape=(jax.ShapeDtypeStruct((h1, n), jnp.float32),
                   jax.ShapeDtypeStruct((e_total,), jnp.int32)),
    )(x, w1, edge_index)


def _tc_scale(mmt, degp):
    h1, n = mmt.shape

    def body(m_ref, dp_ref, s_ref, dinv_ref):
        deg = jnp.sum(dp_ref[...], axis=0) + 1.0
        dinv = lax.rsqrt(deg)[None, :]
        dinv_ref[...] = dinv
        s_ref[...] = m_ref[...] * dinv

    return pl.pallas_call(
        body,
        out_shape=(jax.ShapeDtypeStruct((h1, n), jnp.float32),
                   jax.ShapeDtypeStruct((1, n), jnp.float32)),
    )(mmt, degp)


def _tc_mid(acc_t, s1_t, dinv, b1, w2):
    h2 = w2.shape[1]
    n = s1_t.shape[1]

    def body(a_ref, s_ref, di_ref, b_ref, w_ref, o_ref):
        hpre = (jnp.sum(a_ref[...], axis=0) + s_ref[...]) * di_ref[...]
        hh = jnp.maximum(hpre + b_ref[...][:, None], 0.0)
        st = lax.dot_general(w_ref[...], hh, (((0,), (0,)), ((), ())),
                             preferred_element_type=jnp.float32)
        o_ref[...] = st * di_ref[...]

    return pl.pallas_call(
        body,
        out_shape=jax.ShapeDtypeStruct((h2, n), jnp.float32),
    )(acc_t, s1_t, dinv, b1, w2)


def _tc_final(acc_t, s2_t, dinv, b2, wl, bl):
    n = s2_t.shape[1]

    def body(a_ref, s_ref, di_ref, b_ref, wl_ref, bl_ref, o_ref):
        hpre = (jnp.sum(a_ref[...], axis=0) + s_ref[...]) * di_ref[...]
        hh = jnp.maximum(hpre + b_ref[...][:, None], 0.0)
        ot = lax.dot_general(wl_ref[...], hh, (((0,), (0,)), ((), ())),
                             preferred_element_type=jnp.float32)
        o_ref[...] = ot + bl_ref[...][:, None]

    return pl.pallas_call(
        body,
        out_shape=jax.ShapeDtypeStruct((1, n), jnp.float32),
    )(acc_t, s2_t, dinv, b2, wl, bl)


def kernel(x, edge_index, edge_weight, W1, b1, W2, b2, Wl, bl):
    n = x.shape[0]
    dst = edge_index[1]

    degp = _sc_degree(dst, edge_weight, n)
    mmt, epk = _tc_mm(x, W1, edge_index)
    s1t, dinv = _tc_scale(mmt, degp)
    acc1 = _sc_propagate(s1t, epk, edge_weight, n)
    s2t = _tc_mid(acc1, s1t, dinv, b1, W2)
    acc2 = _sc_propagate(s2t, epk, edge_weight, n)
    out = _tc_final(acc2, s2t, dinv, b2, Wl, bl)
    return out[0]

# --- scband reference (transcript-rebuilt; emitter-appended) ---
"""Pipeline reference for scband-hete-gcn-12687333392832 (READ-ONLY COPY).

The authoritative reference and input builder live on the scoring server;
editing this copy changes nothing except your own understanding.
"""

import jax, jax.numpy as jnp
import numpy as np

N = 10000
E = 320000
D_IN = 128
H1 = 64
H2 = 32


def setup_inputs(seed: int = 0) -> dict:
    key = jax.random.key(seed)
    ks = jax.random.split(key, 10)
    x = jax.random.normal(ks[0], (N, D_IN), dtype=jnp.float32)
    edge_index = jax.random.randint(ks[1], (2, E), 0, N, dtype=jnp.int32)
    edge_weight = jax.random.uniform(ks[2], (E,), dtype=jnp.float32)
    W1 = jax.random.normal(ks[3], (D_IN, H1), dtype=jnp.float32) * (1.0 / np.sqrt(D_IN))
    b1 = jnp.zeros((H1,), dtype=jnp.float32)
    W2 = jax.random.normal(ks[4], (H1, H2), dtype=jnp.float32) * (1.0 / np.sqrt(H1))
    b2 = jnp.zeros((H2,), dtype=jnp.float32)
    Wl = jax.random.normal(ks[5], (H2, 1), dtype=jnp.float32) * (1.0 / np.sqrt(H2))
    bl = jnp.zeros((1,), dtype=jnp.float32)
    return {"x": x, "edge_index": edge_index, "edge_weight": edge_weight,
            "W1": W1, "b1": b1, "W2": W2, "b2": b2, "Wl": Wl, "bl": bl}


def _gcn_layer(x, src, dst, ew, W, b, num_nodes):
    # PyG GCNConv with add_self_loops=True, normalize=True (gcn_norm)
    loop = jnp.arange(num_nodes, dtype=src.dtype)
    src2 = jnp.concatenate([src, loop])
    dst2 = jnp.concatenate([dst, loop])
    ew2 = jnp.concatenate([ew, jnp.ones((num_nodes,), dtype=ew.dtype)])
    deg = jnp.zeros((num_nodes,), dtype=ew.dtype).at[dst2].add(ew2)
    dinv = jnp.where(deg > 0, jax.lax.rsqrt(jnp.where(deg > 0, deg, 1.0)), 0.0)
    norm = dinv[src2] * ew2 * dinv[dst2]
    h = x @ W
    msg = h[src2] * norm[:, None]
    out = jnp.zeros((num_nodes, W.shape[1]), dtype=h.dtype).at[dst2].add(msg)
    return out + b


def reference(x, edge_index, edge_weight, W1, b1, W2, b2, Wl, bl):
    src = edge_index[0]
    dst = edge_index[1]
    h = jax.nn.relu(_gcn_layer(x, src, dst, edge_weight, W1, b1, N))
    h = jax.nn.relu(_gcn_layer(h, src, dst, edge_weight, W2, b2, N))
    out = h @ Wl + bl
    return out.squeeze(-1)

if __name__ == "__main__":
    import jax
    _d = setup_inputs()
    print(jax.jit(kernel)(*tuple(_d.values())))

</pallas_src>

<mosaic_0001>
#map = affine_map<(d0, d1) -> (0)>
#map1 = affine_map<(d0, d1) -> (0, 0)>
module attributes {stable_mosaic.version = 14 : i64} {
  func.func @deg_kernel(%arg0: i32, %arg1: i32, %arg2: memref<320000xi32, #tpu.memory_space<hbm>>, %arg3: memref<320000xf32, #tpu.memory_space<hbm>>, %arg4: memref<32x10000xf32, #tpu.memory_space<hbm>>, %arg5: memref<10000xi32, #tpu.memory_space<vmem>>, %arg6: memref<10000xf32, #tpu.memory_space<vmem>>, %arg7: memref<10000xf32, #tpu.memory_space<vmem>>) attributes {dimension_semantics = [#tpu.dimension_semantics<core_parallel>, #tpu.dimension_semantics<subcore_parallel>], iteration_bounds = array<i64: 2, 16>, scalar_prefetch = 0 : i64, scratch_operands = 3 : i64, tpu.core_type = #tpu.core_type<sc_vector_subcore>, window_params = [{transform_indices = #map}, {transform_indices = #map}, {transform_indices = #map1}]} {
    %mul3A = arith.constant 16 : i32
    %mul3A_0 = arith.muli %arg0, %mul3A : i32
    %add3A = arith.addi %mul3A_0, %arg1 : i32
    %mul3A_1 = arith.constant 10000 : i32
    %mul3A_2 = arith.muli %add3A, %mul3A_1 : i32
    "tpu.region"() ({
      %run_scoped3A = tpu.sem_alloc : memref<!tpu.dma_semaphore, #tpu.memory_space<semaphore_mem>>
      %dma_start3A = tpu.memref_slice %arg2[%mul3A_2] : memref<320000xi32, #tpu.memory_space<hbm>> -> memref<10000xi32, #tpu.memory_space<hbm>>
      %dma_start3A_13 = tpu.memref_slice %arg2[%mul3A_2] : memref<320000xi32, #tpu.memory_space<hbm>> -> memref<10000xi32, #tpu.memory_space<hbm>>
      tpu.enqueue_dma source(%dma_start3A_13 : memref<10000xi32, #tpu.memory_space<hbm>>) target(%arg5 : memref<10000xi32, #tpu.memory_space<vmem>>) target_semaphore(%run_scoped3A : memref<!tpu.dma_semaphore, #tpu.memory_space<semaphore_mem>>)
      %dma_wait3A = tpu.memref_slice %arg2[%mul3A_2] : memref<320000xi32, #tpu.memory_space<hbm>> -> memref<10000xi32, #tpu.memory_space<hbm>>
      %dma_wait3A_14 = tpu.memref_slice %arg2[%mul3A_2] : memref<320000xi32, #tpu.memory_space<hbm>> -> memref<10000xi32, #tpu.memory_space<hbm>>
      tpu.wait_dma2 semaphore(%run_scoped3A : memref<!tpu.dma_semaphore, #tpu.memory_space<semaphore_mem>>) src(%dma_wait3A_14 : memref<10000xi32, #tpu.memory_space<hbm>>) dst(%arg5 : memref<10000xi32, #tpu.memory_space<vmem>>)
      tpu.yield
    }) : () -> ()
    %mul3A_3 = arith.constant 10000 : i32
    %mul3A_4 = arith.muli %add3A, %mul3A_3 : i32
    "tpu.region"() ({
      %run_scoped3A = tpu.sem_alloc : memref<!tpu.dma_semaphore, #tpu.memory_space<semaphore_mem>>
      %dma_start3A = tpu.memref_slice %arg3[%mul3A_4] : memref<320000xf32, #tpu.memory_space<hbm>> -> memref<10000xf32, #tpu.memory_space<hbm>>
      %dma_start3A_13 = tpu.memref_slice %arg3[%mul3A_4] : memref<320000xf32, #tpu.memory_space<hbm>> -> memref<10000xf32, #tpu.memory_space<hbm>>
      tpu.enqueue_dma source(%dma_start3A_13 : memref<10000xf32, #tpu.memory_space<hbm>>) target(%arg6 : memref<10000xf32, #tpu.memory_space<vmem>>) target_semaphore(%run_scoped3A : memref<!tpu.dma_semaphore, #tpu.memory_space<semaphore_mem>>)
      %dma_wait3A = tpu.memref_slice %arg3[%mul3A_4] : memref<320000xf32, #tpu.memory_space<hbm>> -> memref<10000xf32, #tpu.memory_space<hbm>>
      %dma_wait3A_14 = tpu.memref_slice %arg3[%mul3A_4] : memref<320000xf32, #tpu.memory_space<hbm>> -> memref<10000xf32, #tpu.memory_space<hbm>>
      tpu.wait_dma2 semaphore(%run_scoped3A : memref<!tpu.dma_semaphore, #tpu.memory_space<semaphore_mem>>) src(%dma_wait3A_14 : memref<10000xf32, #tpu.memory_space<hbm>>) dst(%arg6 : memref<10000xf32, #tpu.memory_space<vmem>>)
      tpu.yield
    }) : () -> ()
    %broadcast_in_dim3A = arith.constant 0.000000e+00 : f32
    %broadcast_in_dim3A_5 = vector.broadcast %broadcast_in_dim3A : f32 to vector<16xf32>
    %scan3A = arith.constant 0 : i32
    %scan3A_6 = arith.constant 0 : i32
    %scan3A_7 = arith.constant 625 : i32
    %scan3A_8 = arith.addi %scan3A_6, %scan3A_7 : i32
    %scan3A_9 = arith.constant 1 : i32
    scf.for %scan3A_13 = %scan3A_6 to %scan3A_8 step %scan3A_9  : i32 {
      %mul3A_14 = arith.constant 16 : i32
      %mul3A_15 = arith.muli %scan3A_13, %mul3A_14 : i32
      %swap3A = arith.index_cast %mul3A_15 : i32 to index
      %swap3A_16 = tpu.vector_load %arg7[%swap3A] {strides = array<i32>} : memref<10000xf32, #tpu.memory_space<vmem>>, vector<16xf32>,
      tpu.vector_store %arg7[%swap3A], %broadcast_in_dim3A_5 {strides = array<i32>} : memref<10000xf32, #tpu.memory_space<vmem>>, vector<16xf32>,
    }
    %scan3A_10 = arith.constant 625 : i32
    %parallel_loop3A = arith.constant 0 : i32
    %parallel_loop3A_11 = arith.constant 625 : i32
    %parallel_loop3A_12 = arith.constant 1 : i32
    scf.for %parallel_loop3A_13 = %parallel_loop3A to %parallel_loop3A_11 step %parallel_loop3A_12  : i32 {
      %parallel_loop3A_14 = arith.constant 16 : i32
      %parallel_loop3A_15 = arith.muli %parallel_loop3A_13, %parallel_loop3A_14 : i32
      %parallel_loop3A_16 = arith.index_cast %parallel_loop3A_15 : i32 to index
      %parallel_loop3A_17 = tpu.vector_load %arg5[%parallel_loop3A_16] {strides = array<i32>} : memref<10000xi32, #tpu.memory_space<vmem>>, vector<16xi32>,
      %parallel_loop3A_18 = arith.constant 16 : i32
      %parallel_loop3A_19 = arith.muli %parallel_loop3A_13, %parallel_loop3A_18 : i32
      %parallel_loop3A_20 = arith.index_cast %parallel_loop3A_19 : i32 to index
      %parallel_loop3A_21 = tpu.vector_load %arg6[%parallel_loop3A_20] {strides = array<i32>} : memref<10000xf32, #tpu.memory_space<vmem>>, vector<16xf32>,
      tpu.vector_store_idx %arg7[%parallel_loop3A_17], %parallel_loop3A_21 {add = true} : memref<10000xf32, #tpu.memory_space<vmem>>[vector<16xi32>], vector<16xf32>,
    } {sc.loop_unroll_factor = 5 : i64, sc.parallel_access}
    "tpu.region"() ({
      %run_scoped3A = tpu.sem_alloc : memref<!tpu.dma_semaphore, #tpu.memory_space<semaphore_mem>>
      %dma_start3A = arith.constant 0 : i32
      %dma_start3A_13 = tpu.memref_slice %arg4[%add3A, %dma_start3A] : memref<32x10000xf32, #tpu.memory_space<hbm>> -> memref<1x10000xf32, #tpu.memory_space<hbm>>
      %dma_start3A_14 = tpu.memref_squeeze %dma_start3A_13 : memref<1x10000xf32, #tpu.memory_space<hbm>> -> memref<10000xf32, #tpu.memory_space<hbm>>
      %dma_start3A_15 = arith.constant 0 : i32
      %dma_start3A_16 = tpu.memref_slice %arg4[%add3A, %dma_start3A_15] : memref<32x10000xf32, #tpu.memory_space<hbm>> -> memref<1x10000xf32, #tpu.memory_space<hbm>>
      %dma_start3A_17 = tpu.memref_squeeze %dma_start3A_16 : memref<1x10000xf32, #tpu.memory_space<hbm>> -> memref<10000xf32, #tpu.memory_space<hbm>>
      tpu.enqueue_dma source(%arg7 : memref<10000xf32, #tpu.memory_space<vmem>>) target(%dma_start3A_17 : memref<10000xf32, #tpu.memory_space<hbm>>) target_semaphore(%run_scoped3A : memref<!tpu.dma_semaphore, #tpu.memory_space<semaphore_mem>>)
      %dma_wait3A = arith.constant 0 : i32
      %dma_wait3A_18 = tpu.memref_slice %arg4[%add3A, %dma_wait3A] : memref<32x10000xf32, #tpu.memory_space<hbm>> -> memref<1x10000xf32, #tpu.memory_space<hbm>>
      %dma_wait3A_19 = tpu.memref_squeeze %dma_wait3A_18 : memref<1x10000xf32, #tpu.memory_space<hbm>> -> memref<10000xf32, #tpu.memory_space<hbm>>
      %dma_wait3A_20 = arith.constant 0 : i32
      %dma_wait3A_21 = tpu.memref_slice %arg4[%add3A, %dma_wait3A_20] : memref<32x10000xf32, #tpu.memory_space<hbm>> -> memref<1x10000xf32, #tpu.memory_space<hbm>>
      %dma_wait3A_22 = tpu.memref_squeeze %dma_wait3A_21 : memref<1x10000xf32, #tpu.memory_space<hbm>> -> memref<10000xf32, #tpu.memory_space<hbm>>
      tpu.wait_dma2 semaphore(%run_scoped3A : memref<!tpu.dma_semaphore, #tpu.memory_space<semaphore_mem>>) src(%arg7 : memref<10000xf32, #tpu.memory_space<vmem>>) dst(%dma_wait3A_22 : memref<10000xf32, #tpu.memory_space<hbm>>)
      tpu.yield
    }) : () -> ()
    return
  }
}

#map = affine_map<(d0, d1) -> (0, 0)>
#map1 = affine_map<(d0, d1) -> (0)>
#map2 = affine_map<(d0, d1) -> (0, 0, 0)>
module attributes {stable_mosaic.version = 14 : i64} {
  func.func @prop_kernel(%arg0: i32, %arg1: i32, %arg2: memref<64x10000xf32, #tpu.memory_space<hbm>>, %arg3: memref<320000xi32, #tpu.memory_space<hbm>>, %arg4: memref<320000xf32, #tpu.memory_space<hbm>>, %arg5: memref<2x64x10000xf32, #tpu.memory_space<hbm>>, %arg6: memref<10000xf32, #tpu.memory_space<vmem>>, %arg7: memref<10000xf32, #tpu.memory_space<vmem>>, %arg8: memref<10000xf32, #tpu.memory_space<vmem>>, %arg9: memref<10000xf32, #tpu.memory_space<vmem>>, %arg10: memref<10000xf32, #tpu.memory_space<vmem>>, %arg11: memref<10000xf32, #tpu.memory_space<vmem>>, %arg12: memref<10000xf32, #tpu.memory_space<vmem>>, %arg13: memref<10000xf32, #tpu.memory_space<vmem>>, %arg14: memref<4000xi32, #tpu.memory_space<vmem>>, %arg15: memref<4000xf32, #tpu.memory_space<vmem>>, %arg16: memref<!tpu.dma_semaphore, #tpu.memory_space<semaphore_mem>>) attributes {dimension_semantics = [#tpu.dimension_semantics<core_parallel>, #tpu.dimension_semantics<subcore_parallel>], iteration_bounds = array<i64: 2, 16>, scalar_prefetch = 0 : i64, scratch_operands = 11 : i64, tpu.core_type = #tpu.core_type<sc_vector_subcore>, window_params = [{transform_indices = #map}, {transform_indices = #map1}, {transform_indices = #map1}, {transform_indices = #map2}]} {
    %rem3A = arith.constant 16 : i32
    %rem3A_0 = arith.remsi %arg1, %rem3A : i32
    %div3A = arith.constant 16 : i32
    %div3A_1 = arith.divsi %arg1, %div3A : i32
    %mul3A = arith.constant 1 : i32
    %mul3A_2 = arith.muli %arg0, %mul3A : i32
    %add3A = arith.addi %mul3A_2, %div3A_1 : i32
    %mul3A_3 = arith.constant 4 : i32
    %mul3A_4 = arith.muli %rem3A_0, %mul3A_3 : i32
    %mul3A_5 = arith.constant 160000 : i32
    %mul3A_6 = arith.muli %add3A, %mul3A_5 : i32
    %add3A_7 = arith.constant 0 : i32
    %add3A_8 = arith.addi %mul3A_6, %add3A_7 : i32
    %rem3A_9 = arith.constant 0 : i32
    %rem3A_10 = arith.constant 2 : i32
    %rem3A_11 = arith.remsi %rem3A_9, %rem3A_10 : i32
    %mul3A_12 = arith.constant 2000 : i32
    %mul3A_13 = arith.muli %rem3A_11, %mul3A_12 : i32
    %dma_start3A = tpu.memref_slice %arg14[%mul3A_13] : memref<4000xi32, #tpu.memory_space<vmem>> -> memref<2000xi32, #tpu.memory_space<vmem>>
    %dma_start3A_14 = tpu.memref_slice %arg3[%add3A_8] : memref<320000xi32, #tpu.memory_space<hbm>> -> memref<2000xi32, #tpu.memory_space<hbm>>
    %dma_start3A_15 = tpu.memref_slice %arg14[%mul3A_13] : memref<4000xi32, #tpu.memory_space<vmem>> -> memref<2000xi32, #tpu.memory_space<vmem>>
    %dma_start3A_16 = tpu.memref_slice %arg3[%add3A_8] : memref<320000xi32, #tpu.memory_space<hbm>> -> memref<2000xi32, #tpu.memory_space<hbm>>
    tpu.enqueue_dma source(%dma_start3A_16 : memref<2000xi32, #tpu.memory_space<hbm>>) target(%dma_start3A_15 : memref<2000xi32, #tpu.memory_space<vmem>>) target_semaphore(%arg16 : memref<!tpu.dma_semaphore, #tpu.memory_space<semaphore_mem>>)
    %dma_start3A_17 = tpu.memref_slice %arg15[%mul3A_13] : memref<4000xf32, #tpu.memory_space<vmem>> -> memref<2000xf32, #tpu.memory_space<vmem>>
    %dma_start3A_18 = tpu.memref_slice %arg4[%add3A_8] : memref<320000xf32, #tpu.memory_space<hbm>> -> memref<2000xf32, #tpu.memory_space<hbm>>
    %dma_start3A_19 = tpu.memref_slice %arg15[%mul3A_13] : memref<4000xf32, #tpu.memory_space<vmem>> -> memref<2000xf32, #tpu.memory_space<vmem>>
    %dma_start3A_20 = tpu.memref_slice %arg4[%add3A_8] : memref<320000xf32, #tpu.memory_space<hbm>> -> memref<2000xf32, #tpu.memory_space<hbm>>
    tpu.enqueue_dma source(%dma_start3A_20 : memref<2000xf32, #tpu.memory_space<hbm>>) target(%dma_start3A_19 : memref<2000xf32, #tpu.memory_space<vmem>>) target_semaphore(%arg16 : memref<!tpu.dma_semaphore, #tpu.memory_space<semaphore_mem>>)
    %add3A_21 = arith.constant 0 : i32
    %add3A_22 = arith.addi %mul3A_4, %add3A_21 : i32
    "tpu.region"() ({
      %run_scoped3A = tpu.sem_alloc : memref<!tpu.dma_semaphore, #tpu.memory_space<semaphore_mem>>
      %dma_start3A_49 = arith.constant 0 : i32
      %dma_start3A_50 = tpu.memref_slice %arg2[%add3A_22, %dma_start3A_49] : memref<64x10000xf32, #tpu.memory_space<hbm>> -> memref<1x10000xf32, #tpu.memory_space<hbm>>
      %dma_start3A_51 = tpu.memref_squeeze %dma_start3A_50 : memref<1x10000xf32, #tpu.memory_space<hbm>> -> memref<10000xf32, #tpu.memory_space<hbm>>
      %dma_start3A_52 = arith.constant 0 : i32
      %dma_start3A_53 = tpu.memref_slice %arg2[%add3A_22, %dma_start3A_52] : memref<64x10000xf32, #tpu.memory_space<hbm>> -> memref<1x10000xf32, #tpu.memory_space<hbm>>
      %dma_start3A_54 = tpu.memref_squeeze %dma_start3A_53 : memref<1x10000xf32, #tpu.memory_space<hbm>> -> memref<10000xf32, #tpu.memory_space<hbm>>
      tpu.enqueue_dma source(%dma_start3A_54 : memref<10000xf32, #tpu.memory_space<hbm>>) target(%arg6 : memref<10000xf32, #tpu.memory_space<vmem>>) target_semaphore(%run_scoped3A : memref<!tpu.dma_semaphore, #tpu.memory_space<semaphore_mem>>)
      %dma_wait3A = arith.constant 0 : i32
      %dma_wait3A_55 = tpu.memref_slice %arg2[%add3A_22, %dma_wait3A] : memref<64x10000xf32, #tpu.memory_space<hbm>> -> memref<1x10000xf32, #tpu.memory_space<hbm>>
      %dma_wait3A_56 = tpu.memref_squeeze %dma_wait3A_55 : memref<1x10000xf32, #tpu.memory_space<hbm>> -> memref<10000xf32, #tpu.memory_space<hbm>>
      %dma_wait3A_57 = arith.constant 0 : i32
      %dma_wait3A_58 = tpu.memref_slice %arg2[%add3A_22, %dma_wait3A_57] : memref<64x10000xf32, #tpu.memory_space<hbm>> -> memref<1x10000xf32, #tpu.memory_space<hbm>>
      %dma_wait3A_59 = tpu.memref_squeeze %dma_wait3A_58 : memref<1x10000xf32, #tpu.memory_space<hbm>> -> memref<10000xf32, #tpu.memory_space<hbm>>
      tpu.wait_dma2 semaphore(%run_scoped3A : memref<!tpu.dma_semaphore, #tpu.memory_space<semaphore_mem>>) src(%dma_wait3A_59 : memref<10000xf32, #tpu.memory_space<hbm>>) dst(%arg6 : memref<10000xf32, #tpu.memory_space<vmem>>)
      tpu.yield
    }) : () -> ()
    %add3A_23 = arith.constant 1 : i32
    %add3A_24 = arith.addi %mul3A_4, %add3A_23 : i32
    "tpu.region"() ({
      %run_scoped3A = tpu.sem_alloc : memref<!tpu.dma_semaphore, #tpu.memory_space<semaphore_mem>>
      %dma_start3A_49 = arith.constant 0 : i32
      %dma_start3A_50 = tpu.memref_slice %arg2[%add3A_24, %dma_start3A_49] : memref<64x10000xf32, #tpu.memory_space<hbm>> -> memref<1x10000xf32, #tpu.memory_space<hbm>>
      %dma_start3A_51 = tpu.memref_squeeze %dma_start3A_50 : memref<1x10000xf32, #tpu.memory_space<hbm>> -> memref<10000xf32, #tpu.memory_space<hbm>>
      %dma_start3A_52 = arith.constant 0 : i32
      %dma_start3A_53 = tpu.memref_slice %arg2[%add3A_24, %dma_start3A_52] : memref<64x10000xf32, #tpu.memory_space<hbm>> -> memref<1x10000xf32, #tpu.memory_space<hbm>>
      %dma_start3A_54 = tpu.memref_squeeze %dma_start3A_53 : memref<1x10000xf32, #tpu.memory_space<hbm>> -> memref<10000xf32, #tpu.memory_space<hbm>>
      tpu.enqueue_dma source(%dma_start3A_54 : memref<10000xf32, #tpu.memory_space<hbm>>) target(%arg7 : memref<10000xf32, #tpu.memory_space<vmem>>) target_semaphore(%run_scoped3A : memref<!tpu.dma_semaphore, #tpu.memory_space<semaphore_mem>>)
      %dma_wait3A = arith.constant 0 : i32
      %dma_wait3A_55 = tpu.memref_slice %arg2[%add3A_24, %dma_wait3A] : memref<64x10000xf32, #tpu.memory_space<hbm>> -> memref<1x10000xf32, #tpu.memory_space<hbm>>
      %dma_wait3A_56 = tpu.memref_squeeze %dma_wait3A_55 : memref<1x10000xf32, #tpu.memory_space<hbm>> -> memref<10000xf32, #tpu.memory_space<hbm>>
      %dma_wait3A_57 = arith.constant 0 : i32
      %dma_wait3A_58 = tpu.memref_slice %arg2[%add3A_24, %dma_wait3A_57] : memref<64x10000xf32, #tpu.memory_space<hbm>> -> memref<1x10000xf32, #tpu.memory_space<hbm>>
      %dma_wait3A_59 = tpu.memref_squeeze %dma_wait3A_58 : memref<1x10000xf32, #tpu.memory_space<hbm>> -> memref<10000xf32, #tpu.memory_space<hbm>>
      tpu.wait_dma2 semaphore(%run_scoped3A : memref<!tpu.dma_semaphore, #tpu.memory_space<semaphore_mem>>) src(%dma_wait3A_59 : memref<10000xf32, #tpu.memory_space<hbm>>) dst(%arg7 : memref<10000xf32, #tpu.memory_space<vmem>>)
      tpu.yield
    }) : () -> ()
    %add3A_25 = arith.constant 2 : i32
    %add3A_26 = arith.addi %mul3A_4, %add3A_25 : i32
    "tpu.region"() ({
      %run_scoped3A = tpu.sem_alloc : memref<!tpu.dma_semaphore, #tpu.memory_space<semaphore_mem>>
      %dma_start3A_49 = arith.constant 0 : i32
      %dma_start3A_50 = tpu.memref_slice %arg2[%add3A_26, %dma_start3A_49] : memref<64x10000xf32, #tpu.memory_space<hbm>> -> memref<1x10000xf32, #tpu.memory_space<hbm>>
      %dma_start3A_51 = tpu.memref_squeeze %dma_start3A_50 : memref<1x10000xf32, #tpu.memory_space<hbm>> -> memref<10000xf32, #tpu.memory_space<hbm>>
      %dma_start3A_52 = arith.constant 0 : i32
      %dma_start3A_53 = tpu.memref_slice %arg2[%add3A_26, %dma_start3A_52] : memref<64x10000xf32, #tpu.memory_space<hbm>> -> memref<1x10000xf32, #tpu.memory_space<hbm>>
      %dma_start3A_54 = tpu.memref_squeeze %dma_start3A_53 : memref<1x10000xf32, #tpu.memory_space<hbm>> -> memref<10000xf32, #tpu.memory_space<hbm>>
      tpu.enqueue_dma source(%dma_start3A_54 : memref<10000xf32, #tpu.memory_space<hbm>>) target(%arg8 : memref<10000xf32, #tpu.memory_space<vmem>>) target_semaphore(%run_scoped3A : memref<!tpu.dma_semaphore, #tpu.memory_space<semaphore_mem>>)
      %dma_wait3A = arith.constant 0 : i32
      %dma_wait3A_55 = tpu.memref_slice %arg2[%add3A_26, %dma_wait3A] : memref<64x10000xf32, #tpu.memory_space<hbm>> -> memref<1x10000xf32, #tpu.memory_space<hbm>>
      %dma_wait3A_56 = tpu.memref_squeeze %dma_wait3A_55 : memref<1x10000xf32, #tpu.memory_space<hbm>> -> memref<10000xf32, #tpu.memory_space<hbm>>
      %dma_wait3A_57 = arith.constant 0 : i32
      %dma_wait3A_58 = tpu.memref_slice %arg2[%add3A_26, %dma_wait3A_57] : memref<64x10000xf32, #tpu.memory_space<hbm>> -> memref<1x10000xf32, #tpu.memory_space<hbm>>
      %dma_wait3A_59 = tpu.memref_squeeze %dma_wait3A_58 : memref<1x10000xf32, #tpu.memory_space<hbm>> -> memref<10000xf32, #tpu.memory_space<hbm>>
      tpu.wait_dma2 semaphore(%run_scoped3A : memref<!tpu.dma_semaphore, #tpu.memory_space<semaphore_mem>>) src(%dma_wait3A_59 : memref<10000xf32, #tpu.memory_space<hbm>>) dst(%arg8 : memref<10000xf32, #tpu.memory_space<vmem>>)
      tpu.yield
    }) : () -> ()
    %add3A_27 = arith.constant 3 : i32
    %add3A_28 = arith.addi %mul3A_4, %add3A_27 : i32
    "tpu.region"() ({
      %run_scoped3A = tpu.sem_alloc : memref<!tpu.dma_semaphore, #tpu.memory_space<semaphore_mem>>
      %dma_start3A_49 = arith.constant 0 : i32
      %dma_start3A_50 = tpu.memref_slice %arg2[%add3A_28, %dma_start3A_49] : memref<64x10000xf32, #tpu.memory_space<hbm>> -> memref<1x10000xf32, #tpu.memory_space<hbm>>
      %dma_start3A_51 = tpu.memref_squeeze %dma_start3A_50 : memref<1x10000xf32, #tpu.memory_space<hbm>> -> memref<10000xf32, #tpu.memory_space<hbm>>
      %dma_start3A_52 = arith.constant 0 : i32
      %dma_start3A_53 = tpu.memref_slice %arg2[%add3A_28, %dma_start3A_52] : memref<64x10000xf32, #tpu.memory_space<hbm>> -> memref<1x10000xf32, #tpu.memory_space<hbm>>
      %dma_start3A_54 = tpu.memref_squeeze %dma_start3A_53 : memref<1x10000xf32, #tpu.memory_space<hbm>> -> memref<10000xf32, #tpu.memory_space<hbm>>
      tpu.enqueue_dma source(%dma_start3A_54 : memref<10000xf32, #tpu.memory_space<hbm>>) target(%arg9 : memref<10000xf32, #tpu.memory_space<vmem>>) target_semaphore(%run_scoped3A : memref<!tpu.dma_semaphore, #tpu.memory_space<semaphore_mem>>)
      %dma_wait3A = arith.constant 0 : i32
      %dma_wait3A_55 = tpu.memref_slice %arg2[%add3A_28, %dma_wait3A] : memref<64x10000xf32, #tpu.memory_space<hbm>> -> memref<1x10000xf32, #tpu.memory_space<hbm>>
      %dma_wait3A_56 = tpu.memref_squeeze %dma_wait3A_55 : memref<1x10000xf32, #tpu.memory_space<hbm>> -> memref<10000xf32, #tpu.memory_space<hbm>>
      %dma_wait3A_57 = arith.constant 0 : i32
      %dma_wait3A_58 = tpu.memref_slice %arg2[%add3A_28, %dma_wait3A_57] : memref<64x10000xf32, #tpu.memory_space<hbm>> -> memref<1x10000xf32, #tpu.memory_space<hbm>>
      %dma_wait3A_59 = tpu.memref_squeeze %dma_wait3A_58 : memref<1x10000xf32, #tpu.memory_space<hbm>> -> memref<10000xf32, #tpu.memory_space<hbm>>
      tpu.wait_dma2 semaphore(%run_scoped3A : memref<!tpu.dma_semaphore, #tpu.memory_space<semaphore_mem>>) src(%dma_wait3A_59 : memref<10000xf32, #tpu.memory_space<hbm>>) dst(%arg9 : memref<10000xf32, #tpu.memory_space<vmem>>)
      tpu.yield
    }) : () -> ()
    %broadcast_in_dim3A = arith.constant 0.000000e+00 : f32
    %broadcast_in_dim3A_29 = vector.broadcast %broadcast_in_dim3A : f32 to vector<16xf32>
    %scan3A = arith.constant 0 : i32
    %scan3A_30 = arith.constant 0 : i32
    %scan3A_31 = arith.constant 625 : i32
    %scan3A_32 = arith.addi %scan3A_30, %scan3A_31 : i32
    %scan3A_33 = arith.constant 1 : i32
    scf.for %scan3A_49 = %scan3A_30 to %scan3A_32 step %scan3A_33  : i32 {
      %mul3A_50 = arith.constant 16 : i32
      %mul3A_51 = arith.muli %scan3A_49, %mul3A_50 : i32
      %swap3A = arith.index_cast %mul3A_51 : i32 to index
      %swap3A_52 = tpu.vector_load %arg10[%swap3A] {strides = array<i32>} : memref<10000xf32, #tpu.memory_space<vmem>>, vector<16xf32>,
      tpu.vector_store %arg10[%swap3A], %broadcast_in_dim3A_29 {strides = array<i32>} : memref<10000xf32, #tpu.memory_space<vmem>>, vector<16xf32>,
      %mul3A_53 = arith.constant 16 : i32
      %mul3A_54 = arith.muli %scan3A_49, %mul3A_53 : i32
      %swap3A_55 = arith.index_cast %mul3A_54 : i32 to index
      %swap3A_56 = tpu.vector_load %arg11[%swap3A_55] {strides = array<i32>} : memref<10000xf32, #tpu.memory_space<vmem>>, vector<16xf32>,
      tpu.vector_store %arg11[%swap3A_55], %broadcast_in_dim3A_29 {strides = array<i32>} : memref<10000xf32, #tpu.memory_space<vmem>>, vector<16xf32>,
      %mul3A_57 = arith.constant 16 : i32
      %mul3A_58 = arith.muli %scan3A_49, %mul3A_57 : i32
      %swap3A_59 = arith.index_cast %mul3A_58 : i32 to index
      %swap3A_60 = tpu.vector_load %arg12[%swap3A_59] {strides = array<i32>} : memref<10000xf32, #tpu.memory_space<vmem>>, vector<16xf32>,
      tpu.vector_store %arg12[%swap3A_59], %broadcast_in_dim3A_29 {strides = array<i32>} : memref<10000xf32, #tpu.memory_space<vmem>>, vector<16xf32>,
      %mul3A_61 = arith.constant 16 : i32
      %mul3A_62 = arith.muli %scan3A_49, %mul3A_61 : i32
      %swap3A_63 = arith.index_cast %mul3A_62 : i32 to index
      %swap3A_64 = tpu.vector_load %arg13[%swap3A_63] {strides = array<i32>} : memref<10000xf32, #tpu.memory_space<vmem>>, vector<16xf32>,
      tpu.vector_store %arg13[%swap3A_63], %broadcast_in_dim3A_29 {strides = array<i32>} : memref<10000xf32, #tpu.memory_space<vmem>>, vector<16xf32>,
    }
    %scan3A_34 = arith.constant 625 : i32
    %scan3A_35 = arith.constant 0 : i32
    %scan3A_36 = arith.constant 0 : i32
    %scan3A_37 = arith.constant 80 : i32
    %scan3A_38 = arith.addi %scan3A_36, %scan3A_37 : i32
    %scan3A_39 = arith.constant 1 : i32
    scf.for %scan3A_49 = %scan3A_36 to %scan3A_38 step %scan3A_39  : i32 {
      %mul3A_50 = arith.constant 2000 : i32
      %mul3A_51 = arith.muli %scan3A_49, %mul3A_50 : i32
      %add3A_52 = arith.addi %mul3A_6, %mul3A_51 : i32
      %rem3A_53 = arith.constant 2 : i32
      %rem3A_54 = arith.remsi %scan3A_49, %rem3A_53 : i32
      %mul3A_55 = arith.constant 2000 : i32
      %mul3A_56 = arith.muli %rem3A_54, %mul3A_55 : i32
      %dma_wait3A = tpu.memref_slice %arg14[%mul3A_56] : memref<4000xi32, #tpu.memory_space<vmem>> -> memref<2000xi32, #tpu.memory_space<vmem>>
      %dma_wait3A_57 = tpu.memref_slice %arg3[%add3A_52] : memref<320000xi32, #tpu.memory_space<hbm>> -> memref<2000xi32, #tpu.memory_space<hbm>>
      %dma_wait3A_58 = tpu.memref_slice %arg14[%mul3A_56] : memref<4000xi32, #tpu.memory_space<vmem>> -> memref<2000xi32, #tpu.memory_space<vmem>>
      %dma_wait3A_59 = tpu.memref_slice %arg3[%add3A_52] : memref<320000xi32, #tpu.memory_space<hbm>> -> memref<2000xi32, #tpu.memory_space<hbm>>
      tpu.wait_dma2 semaphore(%arg16 : memref<!tpu.dma_semaphore, #tpu.memory_space<semaphore_mem>>) src(%dma_wait3A_59 : memref<2000xi32, #tpu.memory_space<hbm>>) dst(%dma_wait3A_58 : memref<2000xi32, #tpu.memory_space<vmem>>)
      %dma_wait3A_60 = tpu.memref_slice %arg15[%mul3A_56] : memref<4000xf32, #tpu.memory_space<vmem>> -> memref<2000xf32, #tpu.memory_space<vmem>>
      %dma_wait3A_61 = tpu.memref_slice %arg4[%add3A_52] : memref<320000xf32, #tpu.memory_space<hbm>> -> memref<2000xf32, #tpu.memory_space<hbm>>
      %dma_wait3A_62 = tpu.memref_slice %arg15[%mul3A_56] : memref<4000xf32, #tpu.memory_space<vmem>> -> memref<2000xf32, #tpu.memory_space<vmem>>
      %dma_wait3A_63 = tpu.memref_slice %arg4[%add3A_52] : memref<320000xf32, #tpu.memory_space<hbm>> -> memref<2000xf32, #tpu.memory_space<hbm>>
      tpu.wait_dma2 semaphore(%arg16 : memref<!tpu.dma_semaphore, #tpu.memory_space<semaphore_mem>>) src(%dma_wait3A_63 : memref<2000xf32, #tpu.memory_space<hbm>>) dst(%dma_wait3A_62 : memref<2000xf32, #tpu.memory_space<vmem>>)
      %add3A_64 = arith.constant 1 : i32
      %add3A_65 = arith.addi %scan3A_49, %add3A_64 : i32
      %lt3A = arith.constant 80 : i32
      %lt3A_66 = arith.cmpi slt, %add3A_65, %lt3A : i32
      %convert_element_type3A = arith.extui %lt3A_66 : i1 to i32
      %cond3A = arith.constant 0 : i32
      %cond3A_67 = arith.cmpi ne, %convert_element_type3A, %cond3A : i32
      scf.if %cond3A_67 {
        %add3A_74 = arith.constant 1 : i32
        %add3A_75 = arith.addi %scan3A_49, %add3A_74 : i32
        %mul3A_76 = arith.constant 2000 : i32
        %mul3A_77 = arith.muli %add3A_75, %mul3A_76 : i32
        %add3A_78 = arith.addi %mul3A_6, %mul3A_77 : i32
        %rem3A_79 = arith.constant 2 : i32
        %rem3A_80 = arith.remsi %add3A_75, %rem3A_79 : i32
        %mul3A_81 = arith.constant 2000 : i32
        %mul3A_82 = arith.muli %rem3A_80, %mul3A_81 : i32
        %dma_start3A_83 = tpu.memref_slice %arg14[%mul3A_82] : memref<4000xi32, #tpu.memory_space<vmem>> -> memref<2000xi32, #tpu.memory_space<vmem>>
        %dma_start3A_84 = tpu.memref_slice %arg3[%add3A_78] : memref<320000xi32, #tpu.memory_space<hbm>> -> memref<2000xi32, #tpu.memory_space<hbm>>
        %dma_start3A_85 = tpu.memref_slice %arg14[%mul3A_82] : memref<4000xi32, #tpu.memory_space<vmem>> -> memref<2000xi32, #tpu.memory_space<vmem>>
        %dma_start3A_86 = tpu.memref_slice %arg3[%add3A_78] : memref<320000xi32, #tpu.memory_space<hbm>> -> memref<2000xi32, #tpu.memory_space<hbm>>
        tpu.enqueue_dma source(%dma_start3A_86 : memref<2000xi32, #tpu.memory_space<hbm>>) target(%dma_start3A_85 : memref<2000xi32, #tpu.memory_space<vmem>>) target_semaphore(%arg16 : memref<!tpu.dma_semaphore, #tpu.memory_space<semaphore_mem>>)
        %dma_start3A_87 = tpu.memref_slice %arg15[%mul3A_82] : memref<4000xf32, #tpu.memory_space<vmem>> -> memref<2000xf32, #tpu.memory_space<vmem>>
        %dma_start3A_88 = tpu.memref_slice %arg4[%add3A_78] : memref<320000xf32, #tpu.memory_space<hbm>> -> memref<2000xf32, #tpu.memory_space<hbm>>
        %dma_start3A_89 = tpu.memref_slice %arg15[%mul3A_82] : memref<4000xf32, #tpu.memory_space<vmem>> -> memref<2000xf32, #tpu.memory_space<vmem>>
        %dma_start3A_90 = tpu.memref_slice %arg4[%add3A_78] : memref<320000xf32, #tpu.memory_space<hbm>> -> memref<2000xf32, #tpu.memory_space<hbm>>
        tpu.enqueue_dma source(%dma_start3A_90 : memref<2000xf32, #tpu.memory_space<hbm>>) target(%dma_start3A_89 : memref<2000xf32, #tpu.memory_space<vmem>>) target_semaphore(%arg16 : memref<!tpu.dma_semaphore, #tpu.memory_space<semaphore_mem>>)
      } else {
      }
      %rem3A_68 = arith.constant 2 : i32
      %rem3A_69 = arith.remsi %scan3A_49, %rem3A_68 : i32
      %mul3A_70 = arith.constant 2000 : i32
      %mul3A_71 = arith.muli %rem3A_69, %mul3A_70 : i32
      %parallel_loop3A = arith.constant 0 : i32
      %parallel_loop3A_72 = arith.constant 125 : i32
      %parallel_loop3A_73 = arith.constant 1 : i32
      scf.for %parallel_loop3A_74 = %parallel_loop3A to %parallel_loop3A_72 step %parallel_loop3A_73  : i32 {
        %parallel_loop3A_75 = arith.constant 16 : i32
        %parallel_loop3A_76 = arith.muli %parallel_loop3A_74, %parallel_loop3A_75 : i32
        %parallel_loop3A_77 = arith.addi %mul3A_71, %parallel_loop3A_76 : i32
        %parallel_loop3A_78 = arith.index_cast %parallel_loop3A_77 : i32 to index
        %parallel_loop3A_79 = tpu.vector_load %arg14[%parallel_loop3A_78] {strides = array<i32>} : memref<4000xi32, #tpu.memory_space<vmem>>, vector<16xi32>,
        %parallel_loop3A_80 = arith.index_cast %parallel_loop3A_77 : i32 to index
        %parallel_loop3A_81 = tpu.vector_load %arg15[%parallel_loop3A_80] {strides = array<i32>} : memref<4000xf32, #tpu.memory_space<vmem>>, vector<16xf32>,
        %parallel_loop3A_82 = arith.constant 65535 : i32
        %parallel_loop3A_83 = vector.broadcast %parallel_loop3A_82 : i32 to vector<16xi32>
        %parallel_loop3A_84 = arith.andi %parallel_loop3A_79, %parallel_loop3A_83 : vector<16xi32>
        %parallel_loop3A_85 = arith.constant 16 : i32
        %parallel_loop3A_86 = vector.broadcast %parallel_loop3A_85 : i32 to vector<16xi32>
        %parallel_loop3A_87 = arith.shrui %parallel_loop3A_79, %parallel_loop3A_86 : vector<16xi32>
        %parallel_loop3A_88 = tpu.vector_load_idx %arg6[%parallel_loop3A_84] : memref<10000xf32, #tpu.memory_space<vmem>>[vector<16xi32>], vector<16xf32>,
        %parallel_loop3A_89 = arith.mulf %parallel_loop3A_88, %parallel_loop3A_81 : vector<16xf32>
        tpu.vector_store_idx %arg10[%parallel_loop3A_87], %parallel_loop3A_89 {add = true} : memref<10000xf32, #tpu.memory_space<vmem>>[vector<16xi32>], vector<16xf32>,
        %parallel_loop3A_90 = tpu.vector_load_idx %arg7[%parallel_loop3A_84] : memref<10000xf32, #tpu.memory_space<vmem>>[vector<16xi32>], vector<16xf32>,
        %parallel_loop3A_91 = arith.mulf %parallel_loop3A_90, %parallel_loop3A_81 : vector<16xf32>
        tpu.vector_store_idx %arg11[%parallel_loop3A_87], %parallel_loop3A_91 {add = true} : memref<10000xf32, #tpu.memory_space<vmem>>[vector<16xi32>], vector<16xf32>,
        %parallel_loop3A_92 = tpu.vector_load_idx %arg8[%parallel_loop3A_84] : memref<10000xf32, #tpu.memory_space<vmem>>[vector<16xi32>], vector<16xf32>,
        %parallel_loop3A_93 = arith.mulf %parallel_loop3A_92, %parallel_loop3A_81 : vector<16xf32>
        tpu.vector_store_idx %arg12[%parallel_loop3A_87], %parallel_loop3A_93 {add = true} : memref<10000xf32, #tpu.memory_space<vmem>>[vector<16xi32>], vector<16xf32>,
        %parallel_loop3A_94 = tpu.vector_load_idx %arg9[%parallel_loop3A_84] : memref<10000xf32, #tpu.memory_space<vmem>>[vector<16xi32>], vector<16xf32>,
        %parallel_loop3A_95 = arith.mulf %parallel_loop3A_94, %parallel_loop3A_81 : vector<16xf32>
        tpu.vector_store_idx %arg13[%parallel_loop3A_87], %parallel_loop3A_95 {add = true} : memref<10000xf32, #tpu.memory_space<vmem>>[vector<16xi32>], vector<16xf32>,
      } {sc.loop_unroll_factor = 5 : i64, sc.parallel_access}
    }
    %scan3A_40 = arith.constant 80 : i32
    %add3A_41 = arith.constant 0 : i32
    %add3A_42 = arith.addi %mul3A_4, %add3A_41 : i32
    "tpu.region"() ({
      %run_scoped3A = tpu.sem_alloc : memref<!tpu.dma_semaphore, #tpu.memory_space<semaphore_mem>>
      %dma_start3A_49 = arith.constant 0 : i32
      %dma_start3A_50 = tpu.memref_slice %arg5[%add3A, %add3A_42, %dma_start3A_49] : memref<2x64x10000xf32, #tpu.memory_space<hbm>> -> memref<1x1x10000xf32, #tpu.memory_space<hbm>>
      %dma_start3A_51 = tpu.memref_squeeze %dma_start3A_50 : memref<1x1x10000xf32, #tpu.memory_space<hbm>> -> memref<10000xf32, #tpu.memory_space<hbm>>
      %dma_start3A_52 = arith.constant 0 : i32
      %dma_start3A_53 = tpu.memref_slice %arg5[%add3A, %add3A_42, %dma_start3A_52] : memref<2x64x10000xf32, #tpu.memory_space<hbm>> -> memref<1x1x10000xf32, #tpu.memory_space<hbm>>
      %dma_start3A_54 = tpu.memref_squeeze %dma_start3A_53 : memref<1x1x10000xf32, #tpu.memory_space<hbm>> -> memref<10000xf32, #tpu.memory_space<hbm>>
      tpu.enqueue_dma source(%arg10 : memref<10000xf32, #tpu.memory_space<vmem>>) target(%dma_start3A_54 : memref<10000xf32, #tpu.memory_space<hbm>>) target_semaphore(%run_scoped3A : memref<!tpu.dma_semaphore, #tpu.memory_space<semaphore_mem>>)
      %dma_wait3A = arith.constant 0 : i32
      %dma_wait3A_55 = tpu.memref_slice %arg5[%add3A, %add3A_42, %dma_wait3A] : memref<2x64x10000xf32, #tpu.memory_space<hbm>> -> memref<1x1x10000xf32, #tpu.memory_space<hbm>>
      %dma_wait3A_56 = tpu.memref_squeeze %dma_wait3A_55 : memref<1x1x10000xf32, #tpu.memory_space<hbm>> -> memref<10000xf32, #tpu.memory_space<hbm>>
      %dma_wait3A_57 = arith.constant 0 : i32
      %dma_wait3A_58 = tpu.memref_slice %arg5[%add3A, %add3A_42, %dma_wait3A_57] : memref<2x64x10000xf32, #tpu.memory_space<hbm>> -> memref<1x1x10000xf32, #tpu.memory_space<hbm>>
      %dma_wait3A_59 = tpu.memref_squeeze %dma_wait3A_58 : memref<1x1x10000xf32, #tpu.memory_space<hbm>> -> memref<10000xf32, #tpu.memory_space<hbm>>
      tpu.wait_dma2 semaphore(%run_scoped3A : memref<!tpu.dma_semaphore, #tpu.memory_space<semaphore_mem>>) src(%arg10 : memref<10000xf32, #tpu.memory_space<vmem>>) dst(%dma_wait3A_59 : memref<10000xf32, #tpu.memory_space<hbm>>)
      tpu.yield
    }) : () -> ()
    %add3A_43 = arith.constant 1 : i32
    %add3A_44 = arith.addi %mul3A_4, %add3A_43 : i32
    "tpu.region"() ({
      %run_scoped3A = tpu.sem_alloc : memref<!tpu.dma_semaphore, #tpu.memory_space<semaphore_mem>>
      %dma_start3A_49 = arith.constant 0 : i32
      %dma_start3A_50 = tpu.memref_slice %arg5[%add3A, %add3A_44, %dma_start3A_49] : memref<2x64x10000xf32, #tpu.memory_space<hbm>> -> memref<1x1x10000xf32, #tpu.memory_space<hbm>>
      %dma_start3A_51 = tpu.memref_squeeze %dma_start3A_50 : memref<1x1x10000xf32, #tpu.memory_space<hbm>> -> memref<10000xf32, #tpu.memory_space<hbm>>
      %dma_start3A_52 = arith.constant 0 : i32
      %dma_start3A_53 = tpu.memref_slice %arg5[%add3A, %add3A_44, %dma_start3A_52] : memref<2x64x10000xf32, #tpu.memory_space<hbm>> -> memref<1x1x10000xf32, #tpu.memory_space<hbm>>
      %dma_start3A_54 = tpu.memref_squeeze %dma_start3A_53 : memref<1x1x10000xf32, #tpu.memory_space<hbm>> -> memref<10000xf32, #tpu.memory_space<hbm>>
      tpu.enqueue_dma source(%arg11 : memref<10000xf32, #tpu.memory_space<vmem>>) target(%dma_start3A_54 : memref<10000xf32, #tpu.memory_space<hbm>>) target_semaphore(%run_scoped3A : memref<!tpu.dma_semaphore, #tpu.memory_space<semaphore_mem>>)
      %dma_wait3A = arith.constant 0 : i32
      %dma_wait3A_55 = tpu.memref_slice %arg5[%add3A, %add3A_44, %dma_wait3A] : memref<2x64x10000xf32, #tpu.memory_space<hbm>> -> memref<1x1x10000xf32, #tpu.memory_space<hbm>>
      %dma_wait3A_56 = tpu.memref_squeeze %dma_wait3A_55 : memref<1x1x10000xf32, #tpu.memory_space<hbm>> -> memref<10000xf32, #tpu.memory_space<hbm>>
      %dma_wait3A_57 = arith.constant 0 : i32
      %dma_wait3A_58 = tpu.memref_slice %arg5[%add3A, %add3A_44, %dma_wait3A_57] : memref<2x64x10000xf32, #tpu.memory_space<hbm>> -> memref<1x1x10000xf32, #tpu.memory_space<hbm>>
      %dma_wait3A_59 = tpu.memref_squeeze %dma_wait3A_58 : memref<1x1x10000xf32, #tpu.memory_space<hbm>> -> memref<10000xf32, #tpu.memory_space<hbm>>
      tpu.wait_dma2 semaphore(%run_scoped3A : memref<!tpu.dma_semaphore, #tpu.memory_space<semaphore_mem>>) src(%arg11 : memref<10000xf32, #tpu.memory_space<vmem>>) dst(%dma_wait3A_59 : memref<10000xf32, #tpu.memory_space<hbm>>)
      tpu.yield
    }) : () -> ()
    %add3A_45 = arith.constant 2 : i32
    %add3A_46 = arith.addi %mul3A_4, %add3A_45 : i32
    "tpu.region"() ({
      %run_scoped3A = tpu.sem_alloc : memref<!tpu.dma_semaphore, #tpu.memory_space<semaphore_mem>>
      %dma_start3A_49 = arith.constant 0 : i32
      %dma_start3A_50 = tpu.memref_slice %arg5[%add3A, %add3A_46, %dma_start3A_49] : memref<2x64x10000xf32, #tpu.memory_space<hbm>> -> memref<1x1x10000xf32, #tpu.memory_space<hbm>>
      %dma_start3A_51 = tpu.memref_squeeze %dma_start3A_50 : memref<1x1x10000xf32, #tpu.memory_space<hbm>> -> memref<10000xf32, #tpu.memory_space<hbm>>
      %dma_start3A_52 = arith.constant 0 : i32
      %dma_start3A_53 = tpu.memref_slice %arg5[%add3A, %add3A_46, %dma_start3A_52] : memref<2x64x10000xf32, #tpu.memory_space<hbm>> -> memref<1x1x10000xf32, #tpu.memory_space<hbm>>
      %dma_start3A_54 = tpu.memref_squeeze %dma_start3A_53 : memref<1x1x10000xf32, #tpu.memory_space<hbm>> -> memref<10000xf32, #tpu.memory_space<hbm>>
      tpu.enqueue_dma source(%arg12 : memref<10000xf32, #tpu.memory_space<vmem>>) target(%dma_start3A_54 : memref<10000xf32, #tpu.memory_space<hbm>>) target_semaphore(%run_scoped3A : memref<!tpu.dma_semaphore, #tpu.memory_space<semaphore_mem>>)
      %dma_wait3A = arith.constant 0 : i32
      %dma_wait3A_55 = tpu.memref_slice %arg5[%add3A, %add3A_46, %dma_wait3A] : memref<2x64x10000xf32, #tpu.memory_space<hbm>> -> memref<1x1x10000xf32, #tpu.memory_space<hbm>>
      %dma_wait3A_56 = tpu.memref_squeeze %dma_wait3A_55 : memref<1x1x10000xf32, #tpu.memory_space<hbm>> -> memref<10000xf32, #tpu.memory_space<hbm>>
      %dma_wait3A_57 = arith.constant 0 : i32
      %dma_wait3A_58 = tpu.memref_slice %arg5[%add3A, %add3A_46, %dma_wait3A_57] : memref<2x64x10000xf32, #tpu.memory_space<hbm>> -> memref<1x1x10000xf32, #tpu.memory_space<hbm>>
      %dma_wait3A_59 = tpu.memref_squeeze %dma_wait3A_58 : memref<1x1x10000xf32, #tpu.memory_space<hbm>> -> memref<10000xf32, #tpu.memory_space<hbm>>
      tpu.wait_dma2 semaphore(%run_scoped3A : memref<!tpu.dma_semaphore, #tpu.memory_space<semaphore_mem>>) src(%arg12 : memref<10000xf32, #tpu.memory_space<vmem>>) dst(%dma_wait3A_59 : memref<10000xf32, #tpu.memory_space<hbm>>)
      tpu.yield
    }) : () -> ()
    %add3A_47 = arith.constant 3 : i32
    %add3A_48 = arith.addi %mul3A_4, %add3A_47 : i32
    "tpu.region"() ({
      %run_scoped3A = tpu.sem_alloc : memref<!tpu.dma_semaphore, #tpu.memory_space<semaphore_mem>>
      %dma_start3A_49 = arith.constant 0 : i32
      %dma_start3A_50 = tpu.memref_slice %arg5[%add3A, %add3A_48, %dma_start3A_49] : memref<2x64x10000xf32, #tpu.memory_space<hbm>> -> memref<1x1x10000xf32, #tpu.memory_space<hbm>>
      %dma_start3A_51 = tpu.memref_squeeze %dma_start3A_50 : memref<1x1x10000xf32, #tpu.memory_space<hbm>> -> memref<10000xf32, #tpu.memory_space<hbm>>
      %dma_start3A_52 = arith.constant 0 : i32
      %dma_start3A_53 = tpu.memref_slice %arg5[%add3A, %add3A_48, %dma_start3A_52] : memref<2x64x10000xf32, #tpu.memory_space<hbm>> -> memref<1x1x10000xf32, #tpu.memory_space<hbm>>
      %dma_start3A_54 = tpu.memref_squeeze %dma_start3A_53 : memref<1x1x10000xf32, #tpu.memory_space<hbm>> -> memref<10000xf32, #tpu.memory_space<hbm>>
      tpu.enqueue_dma source(%arg13 : memref<10000xf32, #tpu.memory_space<vmem>>) target(%dma_start3A_54 : memref<10000xf32, #tpu.memory_space<hbm>>) target_semaphore(%run_scoped3A : memref<!tpu.dma_semaphore, #tpu.memory_space<semaphore_mem>>)
      %dma_wait3A = arith.constant 0 : i32
      %dma_wait3A_55 = tpu.memref_slice %arg5[%add3A, %add3A_48, %dma_wait3A] : memref<2x64x10000xf32, #tpu.memory_space<hbm>> -> memref<1x1x10000xf32, #tpu.memory_space<hbm>>
      %dma_wait3A_56 = tpu.memref_squeeze %dma_wait3A_55 : memref<1x1x10000xf32, #tpu.memory_space<hbm>> -> memref<10000xf32, #tpu.memory_space<hbm>>
      %dma_wait3A_57 = arith.constant 0 : i32
      %dma_wait3A_58 = tpu.memref_slice %arg5[%add3A, %add3A_48, %dma_wait3A_57] : memref<2x64x10000xf32, #tpu.memory_space<hbm>> -> memref<1x1x10000xf32, #tpu.memory_space<hbm>>
      %dma_wait3A_59 = tpu.memref_squeeze %dma_wait3A_58 : memref<1x1x10000xf32, #tpu.memory_space<hbm>> -> memref<10000xf32, #tpu.memory_space<hbm>>
      tpu.wait_dma2 semaphore(%run_scoped3A : memref<!tpu.dma_semaphore, #tpu.memory_space<semaphore_mem>>) src(%arg13 : memref<10000xf32, #tpu.memory_space<vmem>>) dst(%dma_wait3A_59 : memref<10000xf32, #tpu.memory_space<hbm>>)
      tpu.yield
    }) : () -> ()
    return
  }
}

#map = affine_map<(d0, d1) -> (0, 0)>
#map1 = affine_map<(d0, d1) -> (0)>
#map2 = affine_map<(d0, d1) -> (0, 0, 0)>
module attributes {stable_mosaic.version = 14 : i64} {
  func.func @prop_kernel(%arg0: i32, %arg1: i32, %arg2: memref<32x10000xf32, #tpu.memory_space<hbm>>, %arg3: memref<320000xi32, #tpu.memory_space<hbm>>, %arg4: memref<320000xf32, #tpu.memory_space<hbm>>, %arg5: memref<4x32x10000xf32, #tpu.memory_space<hbm>>, %arg6: memref<10000xf32, #tpu.memory_space<vmem>>, %arg7: memref<10000xf32, #tpu.memory_space<vmem>>, %arg8: memref<10000xf32, #tpu.memory_space<vmem>>, %arg9: memref<10000xf32, #tpu.memory_space<vmem>>, %arg10: memref<10000xf32, #tpu.memory_space<vmem>>, %arg11: memref<10000xf32, #tpu.memory_space<vmem>>, %arg12: memref<10000xf32, #tpu.memory_space<vmem>>, %arg13: memref<10000xf32, #tpu.memory_space<vmem>>, %arg14: memref<4000xi32, #tpu.memory_space<vmem>>, %arg15: memref<4000xf32, #tpu.memory_space<vmem>>, %arg16: memref<!tpu.dma_semaphore, #tpu.memory_space<semaphore_mem>>) attributes {dimension_semantics = [#tpu.dimension_semantics<core_parallel>, #tpu.dimension_semantics<subcore_parallel>], iteration_bounds = array<i64: 2, 16>, scalar_prefetch = 0 : i64, scratch_operands = 11 : i64, tpu.core_type = #tpu.core_type<sc_vector_subcore>, window_params = [{transform_indices = #map}, {transform_indices = #map1}, {transform_indices = #map1}, {transform_indices = #map2}]} {
    %rem3A = arith.constant 8 : i32
    %rem3A_0 = arith.remsi %arg1, %rem3A : i32
    %div3A = arith.constant 8 : i32
    %div3A_1 = arith.divsi %arg1, %div3A : i32
    %mul3A = arith.constant 2 : i32
    %mul3A_2 = arith.muli %arg0, %mul3A : i32
    %add3A = arith.addi %mul3A_2, %div3A_1 : i32
    %mul3A_3 = arith.constant 4 : i32
    %mul3A_4 = arith.muli %rem3A_0, %mul3A_3 : i32
    %mul3A_5 = arith.constant 80000 : i32
    %mul3A_6 = arith.muli %add3A, %mul3A_5 : i32
    %add3A_7 = arith.constant 0 : i32
    %add3A_8 = arith.addi %mul3A_6, %add3A_7 : i32
    %rem3A_9 = arith.constant 0 : i32
    %rem3A_10 = arith.constant 2 : i32
    %rem3A_11 = arith.remsi %rem3A_9, %rem3A_10 : i32
    %mul3A_12 = arith.constant 2000 : i32
    %mul3A_13 = arith.muli %rem3A_11, %mul3A_12 : i32
    %dma_start3A = tpu.memref_slice %arg14[%mul3A_13] : memref<4000xi32, #tpu.memory_space<vmem>> -> memref<2000xi32, #tpu.memory_space<vmem>>
    %dma_start3A_14 = tpu.memref_slice %arg3[%add3A_8] : memref<320000xi32, #tpu.memory_space<hbm>> -> memref<2000xi32, #tpu.memory_space<hbm>>
    %dma_start3A_15 = tpu.memref_slice %arg14[%mul3A_13] : memref<4000xi32, #tpu.memory_space<vmem>> -> memref<2000xi32, #tpu.memory_space<vmem>>
    %dma_start3A_16 = tpu.memref_slice %arg3[%add3A_8] : memref<320000xi32, #tpu.memory_space<hbm>> -> memref<2000xi32, #tpu.memory_space<hbm>>
    tpu.enqueue_dma source(%dma_start3A_16 : memref<2000xi32, #tpu.memory_space<hbm>>) target(%dma_start3A_15 : memref<2000xi32, #tpu.memory_space<vmem>>) target_semaphore(%arg16 : memref<!tpu.dma_semaphore, #tpu.memory_space<semaphore_mem>>)
    %dma_start3A_17 = tpu.memref_slice %arg15[%mul3A_13] : memref<4000xf32, #tpu.memory_space<vmem>> -> memref<2000xf32, #tpu.memory_space<vmem>>
    %dma_start3A_18 = tpu.memref_slice %arg4[%add3A_8] : memref<320000xf32, #tpu.memory_space<hbm>> -> memref<2000xf32, #tpu.memory_space<hbm>>
    %dma_start3A_19 = tpu.memref_slice %arg15[%mul3A_13] : memref<4000xf32, #tpu.memory_space<vmem>> -> memref<2000xf32, #tpu.memory_space<vmem>>
    %dma_start3A_20 = tpu.memref_slice %arg4[%add3A_8] : memref<320000xf32, #tpu.memory_space<hbm>> -> memref<2000xf32, #tpu.memory_space<hbm>>
    tpu.enqueue_dma source(%dma_start3A_20 : memref<2000xf32, #tpu.memory_space<hbm>>) target(%dma_start3A_19 : memref<2000xf32, #tpu.memory_space<vmem>>) target_semaphore(%arg16 : memref<!tpu.dma_semaphore, #tpu.memory_space<semaphore_mem>>)
    %add3A_21 = arith.constant 0 : i32
    %add3A_22 = arith.addi %mul3A_4, %add3A_21 : i32
    "tpu.region"() ({
      %run_scoped3A = tpu.sem_alloc : memref<!tpu.dma_semaphore, #tpu.memory_space<semaphore_mem>>
      %dma_start3A_49 = arith.constant 0 : i32
      %dma_start3A_50 = tpu.memref_slice %arg2[%add3A_22, %dma_start3A_49] : memref<32x10000xf32, #tpu.memory_space<hbm>> -> memref<1x10000xf32, #tpu.memory_space<hbm>>
      %dma_start3A_51 = tpu.memref_squeeze %dma_start3A_50 : memref<1x10000xf32, #tpu.memory_space<hbm>> -> memref<10000xf32, #tpu.memory_space<hbm>>
      %dma_start3A_52 = arith.constant 0 : i32
      %dma_start3A_53 = tpu.memref_slice %arg2[%add3A_22, %dma_start3A_52] : memref<32x10000xf32, #tpu.memory_space<hbm>> -> memref<1x10000xf32, #tpu.memory_space<hbm>>
      %dma_start3A_54 = tpu.memref_squeeze %dma_start3A_53 : memref<1x10000xf32, #tpu.memory_space<hbm>> -> memref<10000xf32, #tpu.memory_space<hbm>>
      tpu.enqueue_dma source(%dma_start3A_54 : memref<10000xf32, #tpu.memory_space<hbm>>) target(%arg6 : memref<10000xf32, #tpu.memory_space<vmem>>) target_semaphore(%run_scoped3A : memref<!tpu.dma_semaphore, #tpu.memory_space<semaphore_mem>>)
      %dma_wait3A = arith.constant 0 : i32
      %dma_wait3A_55 = tpu.memref_slice %arg2[%add3A_22, %dma_wait3A] : memref<32x10000xf32, #tpu.memory_space<hbm>> -> memref<1x10000xf32, #tpu.memory_space<hbm>>
      %dma_wait3A_56 = tpu.memref_squeeze %dma_wait3A_55 : memref<1x10000xf32, #tpu.memory_space<hbm>> -> memref<10000xf32, #tpu.memory_space<hbm>>
      %dma_wait3A_57 = arith.constant 0 : i32
      %dma_wait3A_58 = tpu.memref_slice %arg2[%add3A_22, %dma_wait3A_57] : memref<32x10000xf32, #tpu.memory_space<hbm>> -> memref<1x10000xf32, #tpu.memory_space<hbm>>
      %dma_wait3A_59 = tpu.memref_squeeze %dma_wait3A_58 : memref<1x10000xf32, #tpu.memory_space<hbm>> -> memref<10000xf32, #tpu.memory_space<hbm>>
      tpu.wait_dma2 semaphore(%run_scoped3A : memref<!tpu.dma_semaphore, #tpu.memory_space<semaphore_mem>>) src(%dma_wait3A_59 : memref<10000xf32, #tpu.memory_space<hbm>>) dst(%arg6 : memref<10000xf32, #tpu.memory_space<vmem>>)
      tpu.yield
    }) : () -> ()
    %add3A_23 = arith.constant 1 : i32
    %add3A_24 = arith.addi %mul3A_4, %add3A_23 : i32
    "tpu.region"() ({
      %run_scoped3A = tpu.sem_alloc : memref<!tpu.dma_semaphore, #tpu.memory_space<semaphore_mem>>
      %dma_start3A_49 = arith.constant 0 : i32
      %dma_start3A_50 = tpu.memref_slice %arg2[%add3A_24, %dma_start3A_49] : memref<32x10000xf32, #tpu.memory_space<hbm>> -> memref<1x10000xf32, #tpu.memory_space<hbm>>
      %dma_start3A_51 = tpu.memref_squeeze %dma_start3A_50 : memref<1x10000xf32, #tpu.memory_space<hbm>> -> memref<10000xf32, #tpu.memory_space<hbm>>
      %dma_start3A_52 = arith.constant 0 : i32
      %dma_start3A_53 = tpu.memref_slice %arg2[%add3A_24, %dma_start3A_52] : memref<32x10000xf32, #tpu.memory_space<hbm>> -> memref<1x10000xf32, #tpu.memory_space<hbm>>
      %dma_start3A_54 = tpu.memref_squeeze %dma_start3A_53 : memref<1x10000xf32, #tpu.memory_space<hbm>> -> memref<10000xf32, #tpu.memory_space<hbm>>
      tpu.enqueue_dma source(%dma_start3A_54 : memref<10000xf32, #tpu.memory_space<hbm>>) target(%arg7 : memref<10000xf32, #tpu.memory_space<vmem>>) target_semaphore(%run_scoped3A : memref<!tpu.dma_semaphore, #tpu.memory_space<semaphore_mem>>)
      %dma_wait3A = arith.constant 0 : i32
      %dma_wait3A_55 = tpu.memref_slice %arg2[%add3A_24, %dma_wait3A] : memref<32x10000xf32, #tpu.memory_space<hbm>> -> memref<1x10000xf32, #tpu.memory_space<hbm>>
      %dma_wait3A_56 = tpu.memref_squeeze %dma_wait3A_55 : memref<1x10000xf32, #tpu.memory_space<hbm>> -> memref<10000xf32, #tpu.memory_space<hbm>>
      %dma_wait3A_57 = arith.constant 0 : i32
      %dma_wait3A_58 = tpu.memref_slice %arg2[%add3A_24, %dma_wait3A_57] : memref<32x10000xf32, #tpu.memory_space<hbm>> -> memref<1x10000xf32, #tpu.memory_space<hbm>>
      %dma_wait3A_59 = tpu.memref_squeeze %dma_wait3A_58 : memref<1x10000xf32, #tpu.memory_space<hbm>> -> memref<10000xf32, #tpu.memory_space<hbm>>
      tpu.wait_dma2 semaphore(%run_scoped3A : memref<!tpu.dma_semaphore, #tpu.memory_space<semaphore_mem>>) src(%dma_wait3A_59 : memref<10000xf32, #tpu.memory_space<hbm>>) dst(%arg7 : memref<10000xf32, #tpu.memory_space<vmem>>)
      tpu.yield
    }) : () -> ()
    %add3A_25 = arith.constant 2 : i32
    %add3A_26 = arith.addi %mul3A_4, %add3A_25 : i32
    "tpu.region"() ({
      %run_scoped3A = tpu.sem_alloc : memref<!tpu.dma_semaphore, #tpu.memory_space<semaphore_mem>>
      %dma_start3A_49 = arith.constant 0 : i32
      %dma_start3A_50 = tpu.memref_slice %arg2[%add3A_26, %dma_start3A_49] : memref<32x10000xf32, #tpu.memory_space<hbm>> -> memref<1x10000xf32, #tpu.memory_space<hbm>>
      %dma_start3A_51 = tpu.memref_squeeze %dma_start3A_50 : memref<1x10000xf32, #tpu.memory_space<hbm>> -> memref<10000xf32, #tpu.memory_space<hbm>>
      %dma_start3A_52 = arith.constant 0 : i32
      %dma_start3A_53 = tpu.memref_slice %arg2[%add3A_26, %dma_start3A_52] : memref<32x10000xf32, #tpu.memory_space<hbm>> -> memref<1x10000xf32, #tpu.memory_space<hbm>>
      %dma_start3A_54 = tpu.memref_squeeze %dma_start3A_53 : memref<1x10000xf32, #tpu.memory_space<hbm>> -> memref<10000xf32, #tpu.memory_space<hbm>>
      tpu.enqueue_dma source(%dma_start3A_54 : memref<10000xf32, #tpu.memory_space<hbm>>) target(%arg8 : memref<10000xf32, #tpu.memory_space<vmem>>) target_semaphore(%run_scoped3A : memref<!tpu.dma_semaphore, #tpu.memory_space<semaphore_mem>>)
      %dma_wait3A = arith.constant 0 : i32
      %dma_wait3A_55 = tpu.memref_slice %arg2[%add3A_26, %dma_wait3A] : memref<32x10000xf32, #tpu.memory_space<hbm>> -> memref<1x10000xf32, #tpu.memory_space<hbm>>
      %dma_wait3A_56 = tpu.memref_squeeze %dma_wait3A_55 : memref<1x10000xf32, #tpu.memory_space<hbm>> -> memref<10000xf32, #tpu.memory_space<hbm>>
      %dma_wait3A_57 = arith.constant 0 : i32
      %dma_wait3A_58 = tpu.memref_slice %arg2[%add3A_26, %dma_wait3A_57] : memref<32x10000xf32, #tpu.memory_space<hbm>> -> memref<1x10000xf32, #tpu.memory_space<hbm>>
      %dma_wait3A_59 = tpu.memref_squeeze %dma_wait3A_58 : memref<1x10000xf32, #tpu.memory_space<hbm>> -> memref<10000xf32, #tpu.memory_space<hbm>>
      tpu.wait_dma2 semaphore(%run_scoped3A : memref<!tpu.dma_semaphore, #tpu.memory_space<semaphore_mem>>) src(%dma_wait3A_59 : memref<10000xf32, #tpu.memory_space<hbm>>) dst(%arg8 : memref<10000xf32, #tpu.memory_space<vmem>>)
      tpu.yield
    }) : () -> ()
    %add3A_27 = arith.constant 3 : i32
    %add3A_28 = arith.addi %mul3A_4, %add3A_27 : i32
    "tpu.region"() ({
      %run_scoped3A = tpu.sem_alloc : memref<!tpu.dma_semaphore, #tpu.memory_space<semaphore_mem>>
      %dma_start3A_49 = arith.constant 0 : i32
      %dma_start3A_50 = tpu.memref_slice %arg2[%add3A_28, %dma_start3A_49] : memref<32x10000xf32, #tpu.memory_space<hbm>> -> memref<1x10000xf32, #tpu.memory_space<hbm>>
      %dma_start3A_51 = tpu.memref_squeeze %dma_start3A_50 : memref<1x10000xf32, #tpu.memory_space<hbm>> -> memref<10000xf32, #tpu.memory_space<hbm>>
      %dma_start3A_52 = arith.constant 0 : i32
      %dma_start3A_53 = tpu.memref_slice %arg2[%add3A_28, %dma_start3A_52] : memref<32x10000xf32, #tpu.memory_space<hbm>> -> memref<1x10000xf32, #tpu.memory_space<hbm>>
      %dma_start3A_54 = tpu.memref_squeeze %dma_start3A_53 : memref<1x10000xf32, #tpu.memory_space<hbm>> -> memref<10000xf32, #tpu.memory_space<hbm>>
      tpu.enqueue_dma source(%dma_start3A_54 : memref<10000xf32, #tpu.memory_space<hbm>>) target(%arg9 : memref<10000xf32, #tpu.memory_space<vmem>>) target_semaphore(%run_scoped3A : memref<!tpu.dma_semaphore, #tpu.memory_space<semaphore_mem>>)
      %dma_wait3A = arith.constant 0 : i32
      %dma_wait3A_55 = tpu.memref_slice %arg2[%add3A_28, %dma_wait3A] : memref<32x10000xf32, #tpu.memory_space<hbm>> -> memref<1x10000xf32, #tpu.memory_space<hbm>>
      %dma_wait3A_56 = tpu.memref_squeeze %dma_wait3A_55 : memref<1x10000xf32, #tpu.memory_space<hbm>> -> memref<10000xf32, #tpu.memory_space<hbm>>
      %dma_wait3A_57 = arith.constant 0 : i32
      %dma_wait3A_58 = tpu.memref_slice %arg2[%add3A_28, %dma_wait3A_57] : memref<32x10000xf32, #tpu.memory_space<hbm>> -> memref<1x10000xf32, #tpu.memory_space<hbm>>
      %dma_wait3A_59 = tpu.memref_squeeze %dma_wait3A_58 : memref<1x10000xf32, #tpu.memory_space<hbm>> -> memref<10000xf32, #tpu.memory_space<hbm>>
      tpu.wait_dma2 semaphore(%run_scoped3A : memref<!tpu.dma_semaphore, #tpu.memory_space<semaphore_mem>>) src(%dma_wait3A_59 : memref<10000xf32, #tpu.memory_space<hbm>>) dst(%arg9 : memref<10000xf32, #tpu.memory_space<vmem>>)
      tpu.yield
    }) : () -> ()
    %broadcast_in_dim3A = arith.constant 0.000000e+00 : f32
    %broadcast_in_dim3A_29 = vector.broadcast %broadcast_in_dim3A : f32 to vector<16xf32>
    %scan3A = arith.constant 0 : i32
    %scan3A_30 = arith.constant 0 : i32
    %scan3A_31 = arith.constant 625 : i32
    %scan3A_32 = arith.addi %scan3A_30, %scan3A_31 : i32
    %scan3A_33 = arith.constant 1 : i32
    scf.for %scan3A_49 = %scan3A_30 to %scan3A_32 step %scan3A_33  : i32 {
      %mul3A_50 = arith.constant 16 : i32
      %mul3A_51 = arith.muli %scan3A_49, %mul3A_50 : i32
      %swap3A = arith.index_cast %mul3A_51 : i32 to index
      %swap3A_52 = tpu.vector_load %arg10[%swap3A] {strides = array<i32>} : memref<10000xf32, #tpu.memory_space<vmem>>, vector<16xf32>,
      tpu.vector_store %arg10[%swap3A], %broadcast_in_dim3A_29 {strides = array<i32>} : memref<10000xf32, #tpu.memory_space<vmem>>, vector<16xf32>,
      %mul3A_53 = arith.constant 16 : i32
      %mul3A_54 = arith.muli %scan3A_49, %mul3A_53 : i32
      %swap3A_55 = arith.index_cast %mul3A_54 : i32 to index
      %swap3A_56 = tpu.vector_load %arg11[%swap3A_55] {strides = array<i32>} : memref<10000xf32, #tpu.memory_space<vmem>>, vector<16xf32>,
      tpu.vector_store %arg11[%swap3A_55], %broadcast_in_dim3A_29 {strides = array<i32>} : memref<10000xf32, #tpu.memory_space<vmem>>, vector<16xf32>,
      %mul3A_57 = arith.constant 16 : i32
      %mul3A_58 = arith.muli %scan3A_49, %mul3A_57 : i32
      %swap3A_59 = arith.index_cast %mul3A_58 : i32 to index
      %swap3A_60 = tpu.vector_load %arg12[%swap3A_59] {strides = array<i32>} : memref<10000xf32, #tpu.memory_space<vmem>>, vector<16xf32>,
      tpu.vector_store %arg12[%swap3A_59], %broadcast_in_dim3A_29 {strides = array<i32>} : memref<10000xf32, #tpu.memory_space<vmem>>, vector<16xf32>,
      %mul3A_61 = arith.constant 16 : i32
      %mul3A_62 = arith.muli %scan3A_49, %mul3A_61 : i32
      %swap3A_63 = arith.index_cast %mul3A_62 : i32 to index
      %swap3A_64 = tpu.vector_load %arg13[%swap3A_63] {strides = array<i32>} : memref<10000xf32, #tpu.memory_space<vmem>>, vector<16xf32>,
      tpu.vector_store %arg13[%swap3A_63], %broadcast_in_dim3A_29 {strides = array<i32>} : memref<10000xf32, #tpu.memory_space<vmem>>, vector<16xf32>,
    }
    %scan3A_34 = arith.constant 625 : i32
    %scan3A_35 = arith.constant 0 : i32
    %scan3A_36 = arith.constant 0 : i32
    %scan3A_37 = arith.constant 40 : i32
    %scan3A_38 = arith.addi %scan3A_36, %scan3A_37 : i32
    %scan3A_39 = arith.constant 1 : i32
    scf.for %scan3A_49 = %scan3A_36 to %scan3A_38 step %scan3A_39  : i32 {
      %mul3A_50 = arith.constant 2000 : i32
      %mul3A_51 = arith.muli %scan3A_49, %mul3A_50 : i32
      %add3A_52 = arith.addi %mul3A_6, %mul3A_51 : i32
      %rem3A_53 = arith.constant 2 : i32
      %rem3A_54 = arith.remsi %scan3A_49, %rem3A_53 : i32
      %mul3A_55 = arith.constant 2000 : i32
      %mul3A_56 = arith.muli %rem3A_54, %mul3A_55 : i32
      %dma_wait3A = tpu.memref_slice %arg14[%mul3A_56] : memref<4000xi32, #tpu.memory_space<vmem>> -> memref<2000xi32, #tpu.memory_space<vmem>>
      %dma_wait3A_57 = tpu.memref_slice %arg3[%add3A_52] : memref<320000xi32, #tpu.memory_space<hbm>> -> memref<2000xi32, #tpu.memory_space<hbm>>
      %dma_wait3A_58 = tpu.memref_slice %arg14[%mul3A_56] : memref<4000xi32, #tpu.memory_space<vmem>> -> memref<2000xi32, #tpu.memory_space<vmem>>
      %dma_wait3A_59 = tpu.memref_slice %arg3[%add3A_52] : memref<320000xi32, #tpu.memory_space<hbm>> -> memref<2000xi32, #tpu.memory_space<hbm>>
      tpu.wait_dma2 semaphore(%arg16 : memref<!tpu.dma_semaphore, #tpu.memory_space<semaphore_mem>>) src(%dma_wait3A_59 : memref<2000xi32, #tpu.memory_space<hbm>>) dst(%dma_wait3A_58 : memref<2000xi32, #tpu.memory_space<vmem>>)
      %dma_wait3A_60 = tpu.memref_slice %arg15[%mul3A_56] : memref<4000xf32, #tpu.memory_space<vmem>> -> memref<2000xf32, #tpu.memory_space<vmem>>
      %dma_wait3A_61 = tpu.memref_slice %arg4[%add3A_52] : memref<320000xf32, #tpu.memory_space<hbm>> -> memref<2000xf32, #tpu.memory_space<hbm>>
      %dma_wait3A_62 = tpu.memref_slice %arg15[%mul3A_56] : memref<4000xf32, #tpu.memory_space<vmem>> -> memref<2000xf32, #tpu.memory_space<vmem>>
      %dma_wait3A_63 = tpu.memref_slice %arg4[%add3A_52] : memref<320000xf32, #tpu.memory_space<hbm>> -> memref<2000xf32, #tpu.memory_space<hbm>>
      tpu.wait_dma2 semaphore(%arg16 : memref<!tpu.dma_semaphore, #tpu.memory_space<semaphore_mem>>) src(%dma_wait3A_63 : memref<2000xf32, #tpu.memory_space<hbm>>) dst(%dma_wait3A_62 : memref<2000xf32, #tpu.memory_space<vmem>>)
      %add3A_64 = arith.constant 1 : i32
      %add3A_65 = arith.addi %scan3A_49, %add3A_64 : i32
      %lt3A = arith.constant 40 : i32
      %lt3A_66 = arith.cmpi slt, %add3A_65, %lt3A : i32
      %convert_element_type3A = arith.extui %lt3A_66 : i1 to i32
      %cond3A = arith.constant 0 : i32
      %cond3A_67 = arith.cmpi ne, %convert_element_type3A, %cond3A : i32
      scf.if %cond3A_67 {
        %add3A_74 = arith.constant 1 : i32
        %add3A_75 = arith.addi %scan3A_49, %add3A_74 : i32
        %mul3A_76 = arith.constant 2000 : i32
        %mul3A_77 = arith.muli %add3A_75, %mul3A_76 : i32
        %add3A_78 = arith.addi %mul3A_6, %mul3A_77 : i32
        %rem3A_79 = arith.constant 2 : i32
        %rem3A_80 = arith.remsi %add3A_75, %rem3A_79 : i32
        %mul3A_81 = arith.constant 2000 : i32
        %mul3A_82 = arith.muli %rem3A_80, %mul3A_81 : i32
        %dma_start3A_83 = tpu.memref_slice %arg14[%mul3A_82] : memref<4000xi32, #tpu.memory_space<vmem>> -> memref<2000xi32, #tpu.memory_space<vmem>>
        %dma_start3A_84 = tpu.memref_slice %arg3[%add3A_78] : memref<320000xi32, #tpu.memory_space<hbm>> -> memref<2000xi32, #tpu.memory_space<hbm>>
        %dma_start3A_85 = tpu.memref_slice %arg14[%mul3A_82] : memref<4000xi32, #tpu.memory_space<vmem>> -> memref<2000xi32, #tpu.memory_space<vmem>>
        %dma_start3A_86 = tpu.memref_slice %arg3[%add3A_78] : memref<320000xi32, #tpu.memory_space<hbm>> -> memref<2000xi32, #tpu.memory_space<hbm>>
        tpu.enqueue_dma source(%dma_start3A_86 : memref<2000xi32, #tpu.memory_space<hbm>>) target(%dma_start3A_85 : memref<2000xi32, #tpu.memory_space<vmem>>) target_semaphore(%arg16 : memref<!tpu.dma_semaphore, #tpu.memory_space<semaphore_mem>>)
        %dma_start3A_87 = tpu.memref_slice %arg15[%mul3A_82] : memref<4000xf32, #tpu.memory_space<vmem>> -> memref<2000xf32, #tpu.memory_space<vmem>>
        %dma_start3A_88 = tpu.memref_slice %arg4[%add3A_78] : memref<320000xf32, #tpu.memory_space<hbm>> -> memref<2000xf32, #tpu.memory_space<hbm>>
        %dma_start3A_89 = tpu.memref_slice %arg15[%mul3A_82] : memref<4000xf32, #tpu.memory_space<vmem>> -> memref<2000xf32, #tpu.memory_space<vmem>>
        %dma_start3A_90 = tpu.memref_slice %arg4[%add3A_78] : memref<320000xf32, #tpu.memory_space<hbm>> -> memref<2000xf32, #tpu.memory_space<hbm>>
        tpu.enqueue_dma source(%dma_start3A_90 : memref<2000xf32, #tpu.memory_space<hbm>>) target(%dma_start3A_89 : memref<2000xf32, #tpu.memory_space<vmem>>) target_semaphore(%arg16 : memref<!tpu.dma_semaphore, #tpu.memory_space<semaphore_mem>>)
      } else {
      }
      %rem3A_68 = arith.constant 2 : i32
      %rem3A_69 = arith.remsi %scan3A_49, %rem3A_68 : i32
      %mul3A_70 = arith.constant 2000 : i32
      %mul3A_71 = arith.muli %rem3A_69, %mul3A_70 : i32
      %parallel_loop3A = arith.constant 0 : i32
      %parallel_loop3A_72 = arith.constant 125 : i32
      %parallel_loop3A_73 = arith.constant 1 : i32
      scf.for %parallel_loop3A_74 = %parallel_loop3A to %parallel_loop3A_72 step %parallel_loop3A_73  : i32 {
        %parallel_loop3A_75 = arith.constant 16 : i32
        %parallel_loop3A_76 = arith.muli %parallel_loop3A_74, %parallel_loop3A_75 : i32
        %parallel_loop3A_77 = arith.addi %mul3A_71, %parallel_loop3A_76 : i32
        %parallel_loop3A_78 = arith.index_cast %parallel_loop3A_77 : i32 to index
        %parallel_loop3A_79 = tpu.vector_load %arg14[%parallel_loop3A_78] {strides = array<i32>} : memref<4000xi32, #tpu.memory_space<vmem>>, vector<16xi32>,
        %parallel_loop3A_80 = arith.index_cast %parallel_loop3A_77 : i32 to index
        %parallel_loop3A_81 = tpu.vector_load %arg15[%parallel_loop3A_80] {strides = array<i32>} : memref<4000xf32, #tpu.memory_space<vmem>>, vector<16xf32>,
        %parallel_loop3A_82 = arith.constant 65535 : i32
        %parallel_loop3A_83 = vector.broadcast %parallel_loop3A_82 : i32 to vector<16xi32>
        %parallel_loop3A_84 = arith.andi %parallel_loop3A_79, %parallel_loop3A_83 : vector<16xi32>
        %parallel_loop3A_85 = arith.constant 16 : i32
        %parallel_loop3A_86 = vector.broadcast %parallel_loop3A_85 : i32 to vector<16xi32>
        %parallel_loop3A_87 = arith.shrui %parallel_loop3A_79, %parallel_loop3A_86 : vector<16xi32>
        %parallel_loop3A_88 = tpu.vector_load_idx %arg6[%parallel_loop3A_84] : memref<10000xf32, #tpu.memory_space<vmem>>[vector<16xi32>], vector<16xf32>,
        %parallel_loop3A_89 = arith.mulf %parallel_loop3A_88, %parallel_loop3A_81 : vector<16xf32>
        tpu.vector_store_idx %arg10[%parallel_loop3A_87], %parallel_loop3A_89 {add = true} : memref<10000xf32, #tpu.memory_space<vmem>>[vector<16xi32>], vector<16xf32>,
        %parallel_loop3A_90 = tpu.vector_load_idx %arg7[%parallel_loop3A_84] : memref<10000xf32, #tpu.memory_space<vmem>>[vector<16xi32>], vector<16xf32>,
        %parallel_loop3A_91 = arith.mulf %parallel_loop3A_90, %parallel_loop3A_81 : vector<16xf32>
        tpu.vector_store_idx %arg11[%parallel_loop3A_87], %parallel_loop3A_91 {add = true} : memref<10000xf32, #tpu.memory_space<vmem>>[vector<16xi32>], vector<16xf32>,
        %parallel_loop3A_92 = tpu.vector_load_idx %arg8[%parallel_loop3A_84] : memref<10000xf32, #tpu.memory_space<vmem>>[vector<16xi32>], vector<16xf32>,
        %parallel_loop3A_93 = arith.mulf %parallel_loop3A_92, %parallel_loop3A_81 : vector<16xf32>
        tpu.vector_store_idx %arg12[%parallel_loop3A_87], %parallel_loop3A_93 {add = true} : memref<10000xf32, #tpu.memory_space<vmem>>[vector<16xi32>], vector<16xf32>,
        %parallel_loop3A_94 = tpu.vector_load_idx %arg9[%parallel_loop3A_84] : memref<10000xf32, #tpu.memory_space<vmem>>[vector<16xi32>], vector<16xf32>,
        %parallel_loop3A_95 = arith.mulf %parallel_loop3A_94, %parallel_loop3A_81 : vector<16xf32>
        tpu.vector_store_idx %arg13[%parallel_loop3A_87], %parallel_loop3A_95 {add = true} : memref<10000xf32, #tpu.memory_space<vmem>>[vector<16xi32>], vector<16xf32>,
      } {sc.loop_unroll_factor = 5 : i64, sc.parallel_access}
    }
    %scan3A_40 = arith.constant 40 : i32
    %add3A_41 = arith.constant 0 : i32
    %add3A_42 = arith.addi %mul3A_4, %add3A_41 : i32
    "tpu.region"() ({
      %run_scoped3A = tpu.sem_alloc : memref<!tpu.dma_semaphore, #tpu.memory_space<semaphore_mem>>
      %dma_start3A_49 = arith.constant 0 : i32
      %dma_start3A_50 = tpu.memref_slice %arg5[%add3A, %add3A_42, %dma_start3A_49] : memref<4x32x10000xf32, #tpu.memory_space<hbm>> -> memref<1x1x10000xf32, #tpu.memory_space<hbm>>
      %dma_start3A_51 = tpu.memref_squeeze %dma_start3A_50 : memref<1x1x10000xf32, #tpu.memory_space<hbm>> -> memref<10000xf32, #tpu.memory_space<hbm>>
      %dma_start3A_52 = arith.constant 0 : i32
      %dma_start3A_53 = tpu.memref_slice %arg5[%add3A, %add3A_42, %dma_start3A_52] : memref<4x32x10000xf32, #tpu.memory_space<hbm>> -> memref<1x1x10000xf32, #tpu.memory_space<hbm>>
      %dma_start3A_54 = tpu.memref_squeeze %dma_start3A_53 : memref<1x1x10000xf32, #tpu.memory_space<hbm>> -> memref<10000xf32, #tpu.memory_space<hbm>>
      tpu.enqueue_dma source(%arg10 : memref<10000xf32, #tpu.memory_space<vmem>>) target(%dma_start3A_54 : memref<10000xf32, #tpu.memory_space<hbm>>) target_semaphore(%run_scoped3A : memref<!tpu.dma_semaphore, #tpu.memory_space<semaphore_mem>>)
      %dma_wait3A = arith.constant 0 : i32
      %dma_wait3A_55 = tpu.memref_slice %arg5[%add3A, %add3A_42, %dma_wait3A] : memref<4x32x10000xf32, #tpu.memory_space<hbm>> -> memref<1x1x10000xf32, #tpu.memory_space<hbm>>
      %dma_wait3A_56 = tpu.memref_squeeze %dma_wait3A_55 : memref<1x1x10000xf32, #tpu.memory_space<hbm>> -> memref<10000xf32, #tpu.memory_space<hbm>>
      %dma_wait3A_57 = arith.constant 0 : i32
      %dma_wait3A_58 = tpu.memref_slice %arg5[%add3A, %add3A_42, %dma_wait3A_57] : memref<4x32x10000xf32, #tpu.memory_space<hbm>> -> memref<1x1x10000xf32, #tpu.memory_space<hbm>>
      %dma_wait3A_59 = tpu.memref_squeeze %dma_wait3A_58 : memref<1x1x10000xf32, #tpu.memory_space<hbm>> -> memref<10000xf32, #tpu.memory_space<hbm>>
      tpu.wait_dma2 semaphore(%run_scoped3A : memref<!tpu.dma_semaphore, #tpu.memory_space<semaphore_mem>>) src(%arg10 : memref<10000xf32, #tpu.memory_space<vmem>>) dst(%dma_wait3A_59 : memref<10000xf32, #tpu.memory_space<hbm>>)
      tpu.yield
    }) : () -> ()
    %add3A_43 = arith.constant 1 : i32
    %add3A_44 = arith.addi %mul3A_4, %add3A_43 : i32
    "tpu.region"() ({
      %run_scoped3A = tpu.sem_alloc : memref<!tpu.dma_semaphore, #tpu.memory_space<semaphore_mem>>
      %dma_start3A_49 = arith.constant 0 : i32
      %dma_start3A_50 = tpu.memref_slice %arg5[%add3A, %add3A_44, %dma_start3A_49] : memref<4x32x10000xf32, #tpu.memory_space<hbm>> -> memref<1x1x10000xf32, #tpu.memory_space<hbm>>
      %dma_start3A_51 = tpu.memref_squeeze %dma_start3A_50 : memref<1x1x10000xf32, #tpu.memory_space<hbm>> -> memref<10000xf32, #tpu.memory_space<hbm>>
      %dma_start3A_52 = arith.constant 0 : i32
      %dma_start3A_53 = tpu.memref_slice %arg5[%add3A, %add3A_44, %dma_start3A_52] : memref<4x32x10000xf32, #tpu.memory_space<hbm>> -> memref<1x1x10000xf32, #tpu.memory_space<hbm>>
      %dma_start3A_54 = tpu.memref_squeeze %dma_start3A_53 : memref<1x1x10000xf32, #tpu.memory_space<hbm>> -> memref<10000xf32, #tpu.memory_space<hbm>>
      tpu.enqueue_dma source(%arg11 : memref<10000xf32, #tpu.memory_space<vmem>>) target(%dma_start3A_54 : memref<10000xf32, #tpu.memory_space<hbm>>) target_semaphore(%run_scoped3A : memref<!tpu.dma_semaphore, #tpu.memory_space<semaphore_mem>>)
      %dma_wait3A = arith.constant 0 : i32
      %dma_wait3A_55 = tpu.memref_slice %arg5[%add3A, %add3A_44, %dma_wait3A] : memref<4x32x10000xf32, #tpu.memory_space<hbm>> -> memref<1x1x10000xf32, #tpu.memory_space<hbm>>
      %dma_wait3A_56 = tpu.memref_squeeze %dma_wait3A_55 : memref<1x1x10000xf32, #tpu.memory_space<hbm>> -> memref<10000xf32, #tpu.memory_space<hbm>>
      %dma_wait3A_57 = arith.constant 0 : i32
      %dma_wait3A_58 = tpu.memref_slice %arg5[%add3A, %add3A_44, %dma_wait3A_57] : memref<4x32x10000xf32, #tpu.memory_space<hbm>> -> memref<1x1x10000xf32, #tpu.memory_space<hbm>>
      %dma_wait3A_59 = tpu.memref_squeeze %dma_wait3A_58 : memref<1x1x10000xf32, #tpu.memory_space<hbm>> -> memref<10000xf32, #tpu.memory_space<hbm>>
      tpu.wait_dma2 semaphore(%run_scoped3A : memref<!tpu.dma_semaphore, #tpu.memory_space<semaphore_mem>>) src(%arg11 : memref<10000xf32, #tpu.memory_space<vmem>>) dst(%dma_wait3A_59 : memref<10000xf32, #tpu.memory_space<hbm>>)
      tpu.yield
    }) : () -> ()
    %add3A_45 = arith.constant 2 : i32
    %add3A_46 = arith.addi %mul3A_4, %add3A_45 : i32
    "tpu.region"() ({
      %run_scoped3A = tpu.sem_alloc : memref<!tpu.dma_semaphore, #tpu.memory_space<semaphore_mem>>
      %dma_start3A_49 = arith.constant 0 : i32
      %dma_start3A_50 = tpu.memref_slice %arg5[%add3A, %add3A_46, %dma_start3A_49] : memref<4x32x10000xf32, #tpu.memory_space<hbm>> -> memref<1x1x10000xf32, #tpu.memory_space<hbm>>
      %dma_start3A_51 = tpu.memref_squeeze %dma_start3A_50 : memref<1x1x10000xf32, #tpu.memory_space<hbm>> -> memref<10000xf32, #tpu.memory_space<hbm>>
      %dma_start3A_52 = arith.constant 0 : i32
      %dma_start3A_53 = tpu.memref_slice %arg5[%add3A, %add3A_46, %dma_start3A_52] : memref<4x32x10000xf32, #tpu.memory_space<hbm>> -> memref<1x1x10000xf32, #tpu.memory_space<hbm>>
      %dma_start3A_54 = tpu.memref_squeeze %dma_start3A_53 : memref<1x1x10000xf32, #tpu.memory_space<hbm>> -> memref<10000xf32, #tpu.memory_space<hbm>>
      tpu.enqueue_dma source(%arg12 : memref<10000xf32, #tpu.memory_space<vmem>>) target(%dma_start3A_54 : memref<10000xf32, #tpu.memory_space<hbm>>) target_semaphore(%run_scoped3A : memref<!tpu.dma_semaphore, #tpu.memory_space<semaphore_mem>>)
      %dma_wait3A = arith.constant 0 : i32
      %dma_wait3A_55 = tpu.memref_slice %arg5[%add3A, %add3A_46, %dma_wait3A] : memref<4x32x10000xf32, #tpu.memory_space<hbm>> -> memref<1x1x10000xf32, #tpu.memory_space<hbm>>
      %dma_wait3A_56 = tpu.memref_squeeze %dma_wait3A_55 : memref<1x1x10000xf32, #tpu.memory_space<hbm>> -> memref<10000xf32, #tpu.memory_space<hbm>>
      %dma_wait3A_57 = arith.constant 0 : i32
      %dma_wait3A_58 = tpu.memref_slice %arg5[%add3A, %add3A_46, %dma_wait3A_57] : memref<4x32x10000xf32, #tpu.memory_space<hbm>> -> memref<1x1x10000xf32, #tpu.memory_space<hbm>>
      %dma_wait3A_59 = tpu.memref_squeeze %dma_wait3A_58 : memref<1x1x10000xf32, #tpu.memory_space<hbm>> -> memref<10000xf32, #tpu.memory_space<hbm>>
      tpu.wait_dma2 semaphore(%run_scoped3A : memref<!tpu.dma_semaphore, #tpu.memory_space<semaphore_mem>>) src(%arg12 : memref<10000xf32, #tpu.memory_space<vmem>>) dst(%dma_wait3A_59 : memref<10000xf32, #tpu.memory_space<hbm>>)
      tpu.yield
    }) : () -> ()
    %add3A_47 = arith.constant 3 : i32
    %add3A_48 = arith.addi %mul3A_4, %add3A_47 : i32
    "tpu.region"() ({
      %run_scoped3A = tpu.sem_alloc : memref<!tpu.dma_semaphore, #tpu.memory_space<semaphore_mem>>
      %dma_start3A_49 = arith.constant 0 : i32
      %dma_start3A_50 = tpu.memref_slice %arg5[%add3A, %add3A_48, %dma_start3A_49] : memref<4x32x10000xf32, #tpu.memory_space<hbm>> -> memref<1x1x10000xf32, #tpu.memory_space<hbm>>
      %dma_start3A_51 = tpu.memref_squeeze %dma_start3A_50 : memref<1x1x10000xf32, #tpu.memory_space<hbm>> -> memref<10000xf32, #tpu.memory_space<hbm>>
      %dma_start3A_52 = arith.constant 0 : i32
      %dma_start3A_53 = tpu.memref_slice %arg5[%add3A, %add3A_48, %dma_start3A_52] : memref<4x32x10000xf32, #tpu.memory_space<hbm>> -> memref<1x1x10000xf32, #tpu.memory_space<hbm>>
      %dma_start3A_54 = tpu.memref_squeeze %dma_start3A_53 : memref<1x1x10000xf32, #tpu.memory_space<hbm>> -> memref<10000xf32, #tpu.memory_space<hbm>>
      tpu.enqueue_dma source(%arg13 : memref<10000xf32, #tpu.memory_space<vmem>>) target(%dma_start3A_54 : memref<10000xf32, #tpu.memory_space<hbm>>) target_semaphore(%run_scoped3A : memref<!tpu.dma_semaphore, #tpu.memory_space<semaphore_mem>>)
      %dma_wait3A = arith.constant 0 : i32
      %dma_wait3A_55 = tpu.memref_slice %arg5[%add3A, %add3A_48, %dma_wait3A] : memref<4x32x10000xf32, #tpu.memory_space<hbm>> -> memref<1x1x10000xf32, #tpu.memory_space<hbm>>
      %dma_wait3A_56 = tpu.memref_squeeze %dma_wait3A_55 : memref<1x1x10000xf32, #tpu.memory_space<hbm>> -> memref<10000xf32, #tpu.memory_space<hbm>>
      %dma_wait3A_57 = arith.constant 0 : i32
      %dma_wait3A_58 = tpu.memref_slice %arg5[%add3A, %add3A_48, %dma_wait3A_57] : memref<4x32x10000xf32, #tpu.memory_space<hbm>> -> memref<1x1x10000xf32, #tpu.memory_space<hbm>>
      %dma_wait3A_59 = tpu.memref_squeeze %dma_wait3A_58 : memref<1x1x10000xf32, #tpu.memory_space<hbm>> -> memref<10000xf32, #tpu.memory_space<hbm>>
      tpu.wait_dma2 semaphore(%run_scoped3A : memref<!tpu.dma_semaphore, #tpu.memory_space<semaphore_mem>>) src(%arg13 : memref<10000xf32, #tpu.memory_space<vmem>>) dst(%dma_wait3A_59 : memref<10000xf32, #tpu.memory_space<hbm>>)
      tpu.yield
    }) : () -> ()
    return
  }
}

module attributes {stable_mosaic.version = 14 : i64} {
  func.func @body(%arg0: memref<64x10000xf32, #tpu.memory_space<vmem>>, %arg1: memref<32x10000xf32, #tpu.memory_space<vmem>>, %arg2: memref<64x10000xf32, #tpu.memory_space<vmem>>, %arg3: memref<1x10000xf32, #tpu.memory_space<vmem>>) attributes {dimension_semantics = [], scalar_prefetch = 0 : i64, scratch_operands = 0 : i64, tpu.core_type = #tpu.core_type<tc>} {
    %get3A = arith.constant 0 : index
    %get3A_0 = arith.constant 0 : index
    %get3A_1 = vector.load %arg1[%get3A, %get3A_0] : memref<32x10000xf32, #tpu.memory_space<vmem>>, vector<32x10000xf32>
    %reduce_sum3A = arith.constant dense<0.000000e+00> : vector<10000xf32>
    %reduce_sum3A_2 = vector.multi_reduction <add>, %get3A_1, %reduce_sum3A [0] : vector<32x10000xf32> to vector<10000xf32>
    %add3A = arith.constant 1.000000e+00 : f32
    %add3A_3 = vector.broadcast %add3A : f32 to vector<10000xf32>
    %add3A_4 = arith.addf %reduce_sum3A_2, %add3A_3 : vector<10000xf32>
    %rsqrt3A = math.rsqrt %add3A_4 : vector<10000xf32>
    %broadcast_in_dim3A = vector.shape_cast %rsqrt3A : vector<10000xf32> to vector<1x10000xf32>
    %swap3A = arith.constant 0 : index
    %swap3A_5 = arith.constant 0 : index
    %swap3A_6 = vector.load %arg3[%swap3A, %swap3A_5] : memref<1x10000xf32, #tpu.memory_space<vmem>>, vector<1x10000xf32>
    tpu.vector_store %arg3[%swap3A, %swap3A_5], %broadcast_in_dim3A {strides = array<i32>} : memref<1x10000xf32, #tpu.memory_space<vmem>>, vector<1x10000xf32>,
    %get3A_7 = arith.constant 0 : index
    %get3A_8 = arith.constant 0 : index
    %get3A_9 = vector.load %arg0[%get3A_7, %get3A_8] : memref<64x10000xf32, #tpu.memory_space<vmem>>, vector<64x10000xf32>
    %mul3A = vector.broadcast %broadcast_in_dim3A : vector<1x10000xf32> to vector<64x10000xf32>
    %mul3A_10 = arith.mulf %get3A_9, %mul3A : vector<64x10000xf32>
    %swap3A_11 = arith.constant 0 : index
    %swap3A_12 = arith.constant 0 : index
    %swap3A_13 = vector.load %arg2[%swap3A_11, %swap3A_12] : memref<64x10000xf32, #tpu.memory_space<vmem>>, vector<64x10000xf32>
    tpu.vector_store %arg2[%swap3A_11, %swap3A_12], %mul3A_10 {strides = array<i32>} : memref<64x10000xf32, #tpu.memory_space<vmem>>, vector<64x10000xf32>,
    return
  }
}

module attributes {stable_mosaic.version = 14 : i64} {
  func.func @body(%arg0: memref<10000x128xf32, #tpu.memory_space<vmem>>, %arg1: memref<128x64xf32, #tpu.memory_space<vmem>>, %arg2: memref<2x320000xi32, #tpu.memory_space<vmem>>, %arg3: memref<64x10000xf32, #tpu.memory_space<vmem>>, %arg4: memref<320000xi32, #tpu.memory_space<vmem>>) attributes {dimension_semantics = [], scalar_prefetch = 0 : i64, scratch_operands = 0 : i64, tpu.core_type = #tpu.core_type<tc>} {
    %get3A = arith.constant 0 : index
    %get3A_0 = arith.constant 0 : index
    %get3A_1 = vector.load %arg1[%get3A, %get3A_0] : memref<128x64xf32, #tpu.memory_space<vmem>>, vector<128x64xf32>
    %get3A_2 = arith.constant 0 : index
    %get3A_3 = arith.constant 0 : index
    %get3A_4 = vector.load %arg0[%get3A_2, %get3A_3] : memref<10000x128xf32, #tpu.memory_space<vmem>>, vector<10000x128xf32>
    %dot_general3A = arith.constant dense<0.000000e+00> : vector<64x10000xf32>
    %dot_general3A_5 = tpu.matmul %get3A_1, %get3A_4, %dot_general3A {dimension_numbers = #tpu.dot_dimension_numbers<[0], [1], [1], [0], [0, 1, 1, 0], [], []>, transpose_lhs_hint = false} : vector<128x64xf32>, vector<10000x128xf32>, vector<64x10000xf32> -> vector<64x10000xf32>
    %swap3A = arith.constant 0 : index
    %swap3A_6 = arith.constant 0 : index
    %swap3A_7 = vector.load %arg3[%swap3A, %swap3A_6] : memref<64x10000xf32, #tpu.memory_space<vmem>>, vector<64x10000xf32>
    tpu.vector_store %arg3[%swap3A, %swap3A_6], %dot_general3A_5 {strides = array<i32>} : memref<64x10000xf32, #tpu.memory_space<vmem>>, vector<64x10000xf32>,
    %get3A_8 = arith.constant 0 : index
    %get3A_9 = arith.constant 0 : index
    %get3A_10 = vector.load %arg2[%get3A_8, %get3A_9] : memref<2x320000xi32, #tpu.memory_space<vmem>>, vector<1x320000xi32>
    %get3A_11 = vector.shape_cast %get3A_10 : vector<1x320000xi32> to vector<320000xi32>
    %get3A_12 = arith.constant 1 : index
    %get3A_13 = arith.constant 0 : index
    %get3A_14 = vector.load %arg2[%get3A_12, %get3A_13] : memref<2x320000xi32, #tpu.memory_space<vmem>>, vector<1x320000xi32>
    %get3A_15 = vector.shape_cast %get3A_14 : vector<1x320000xi32> to vector<320000xi32>
    %shift_left3A = arith.constant 16 : i32
    %shift_left3A_16 = vector.broadcast %shift_left3A : i32 to vector<320000xi32>
    %shift_left3A_17 = arith.shli %get3A_15, %shift_left3A_16 : vector<320000xi32>
    %or3A = arith.ori %get3A_11, %shift_left3A_17 : vector<320000xi32>
    %swap3A_18 = arith.constant 0 : index
    %swap3A_19 = vector.load %arg4[%swap3A_18] : memref<320000xi32, #tpu.memory_space<vmem>>, vector<320000xi32>
    tpu.vector_store %arg4[%swap3A_18], %or3A {strides = array<i32>} : memref<320000xi32, #tpu.memory_space<vmem>>, vector<320000xi32>,
    return
  }
}

module attributes {stable_mosaic.version = 14 : i64} {
  func.func @body(%arg0: memref<2x64x10000xf32, #tpu.memory_space<vmem>>, %arg1: memref<64x10000xf32, #tpu.memory_space<vmem>>, %arg2: memref<1x10000xf32, #tpu.memory_space<vmem>>, %arg3: memref<64xf32, #tpu.memory_space<vmem>>, %arg4: memref<64x32xf32, #tpu.memory_space<vmem>>, %arg5: memref<32x10000xf32, #tpu.memory_space<vmem>>) attributes {dimension_semantics = [], scalar_prefetch = 0 : i64, scratch_operands = 0 : i64, tpu.core_type = #tpu.core_type<tc>} {
    %get3A = arith.constant 0 : index
    %get3A_0 = arith.constant 0 : index
    %get3A_1 = arith.constant 0 : index
    %get3A_2 = vector.load %arg0[%get3A, %get3A_0, %get3A_1] : memref<2x64x10000xf32, #tpu.memory_space<vmem>>, vector<2x64x10000xf32>
    %reduce_sum3A = arith.constant dense<0.000000e+00> : vector<64x10000xf32>
    %reduce_sum3A_3 = vector.multi_reduction <add>, %get3A_2, %reduce_sum3A [0] : vector<2x64x10000xf32> to vector<64x10000xf32>
    %get3A_4 = arith.constant 0 : index
    %get3A_5 = arith.constant 0 : index
    %get3A_6 = vector.load %arg1[%get3A_4, %get3A_5] : memref<64x10000xf32, #tpu.memory_space<vmem>>, vector<64x10000xf32>
    %add3A = arith.addf %reduce_sum3A_3, %get3A_6 : vector<64x10000xf32>
    %get3A_7 = arith.constant 0 : index
    %get3A_8 = arith.constant 0 : index
    %get3A_9 = vector.load %arg2[%get3A_7, %get3A_8] : memref<1x10000xf32, #tpu.memory_space<vmem>>, vector<1x10000xf32>
    %mul3A = vector.broadcast %get3A_9 : vector<1x10000xf32> to vector<64x10000xf32>
    %mul3A_10 = arith.mulf %add3A, %mul3A : vector<64x10000xf32>
    %get3A_11 = arith.constant 0 : index
    %get3A_12 = vector.load %arg3[%get3A_11] : memref<64xf32, #tpu.memory_space<vmem>>, vector<64xf32>
    %broadcast_in_dim3A = vector.shape_cast %get3A_12 : vector<64xf32> to vector<64x1xf32>
    %add3A_13 = vector.broadcast %broadcast_in_dim3A : vector<64x1xf32> to vector<64x10000xf32>
    %add3A_14 = arith.addf %mul3A_10, %add3A_13 : vector<64x10000xf32>
    %max3A = arith.constant 0.000000e+00 : f32
    %max3A_15 = vector.broadcast %max3A : f32 to vector<64x10000xf32>
    %max3A_16 = arith.maximumf %add3A_14, %max3A_15 : vector<64x10000xf32>
    %get3A_17 = arith.constant 0 : index
    %get3A_18 = arith.constant 0 : index
    %get3A_19 = vector.load %arg4[%get3A_17, %get3A_18] : memref<64x32xf32, #tpu.memory_space<vmem>>, vector<64x32xf32>
    %dot_general3A = arith.constant dense<0.000000e+00> : vector<32x10000xf32>
    %dot_general3A_20 = tpu.matmul %get3A_19, %max3A_16, %dot_general3A {dimension_numbers = #tpu.dot_dimension_numbers<[0], [0], [1], [1], [0, 1, 1, 1], [], []>, transpose_lhs_hint = false} : vector<64x32xf32>, vector<64x10000xf32>, vector<32x10000xf32> -> vector<32x10000xf32>
    %get3A_21 = arith.constant 0 : index
    %get3A_22 = arith.constant 0 : index
    %get3A_23 = vector.load %arg2[%get3A_21, %get3A_22] : memref<1x10000xf32, #tpu.memory_space<vmem>>, vector<1x10000xf32>
    %mul3A_24 = vector.broadcast %get3A_23 : vector<1x10000xf32> to vector<32x10000xf32>
    %mul3A_25 = arith.mulf %dot_general3A_20, %mul3A_24 : vector<32x10000xf32>
    %swap3A = arith.constant 0 : index
    %swap3A_26 = arith.constant 0 : index
    %swap3A_27 = vector.load %arg5[%swap3A, %swap3A_26] : memref<32x10000xf32, #tpu.memory_space<vmem>>, vector<32x10000xf32>
    tpu.vector_store %arg5[%swap3A, %swap3A_26], %mul3A_25 {strides = array<i32>} : memref<32x10000xf32, #tpu.memory_space<vmem>>, vector<32x10000xf32>,
    return
  }
}

module attributes {stable_mosaic.version = 14 : i64} {
  func.func @body(%arg0: memref<4x32x10000xf32, #tpu.memory_space<vmem>>, %arg1: memref<32x10000xf32, #tpu.memory_space<vmem>>, %arg2: memref<1x10000xf32, #tpu.memory_space<vmem>>, %arg3: memref<32xf32, #tpu.memory_space<vmem>>, %arg4: memref<32x1xf32, #tpu.memory_space<vmem>>, %arg5: memref<1xf32, #tpu.memory_space<vmem>>, %arg6: memref<1x10000xf32, #tpu.memory_space<vmem>>) attributes {dimension_semantics = [], scalar_prefetch = 0 : i64, scratch_operands = 0 : i64, tpu.core_type = #tpu.core_type<tc>} {
    %get3A = arith.constant 0 : index
    %get3A_0 = arith.constant 0 : index
    %get3A_1 = arith.constant 0 : index
    %get3A_2 = vector.load %arg0[%get3A, %get3A_0, %get3A_1] : memref<4x32x10000xf32, #tpu.memory_space<vmem>>, vector<4x32x10000xf32>
    %reduce_sum3A = arith.constant dense<0.000000e+00> : vector<32x10000xf32>
    %reduce_sum3A_3 = vector.multi_reduction <add>, %get3A_2, %reduce_sum3A [0] : vector<4x32x10000xf32> to vector<32x10000xf32>
    %get3A_4 = arith.constant 0 : index
    %get3A_5 = arith.constant 0 : index
    %get3A_6 = vector.load %arg1[%get3A_4, %get3A_5] : memref<32x10000xf32, #tpu.memory_space<vmem>>, vector<32x10000xf32>
    %add3A = arith.addf %reduce_sum3A_3, %get3A_6 : vector<32x10000xf32>
    %get3A_7 = arith.constant 0 : index
    %get3A_8 = arith.constant 0 : index
    %get3A_9 = vector.load %arg2[%get3A_7, %get3A_8] : memref<1x10000xf32, #tpu.memory_space<vmem>>, vector<1x10000xf32>
    %mul3A = vector.broadcast %get3A_9 : vector<1x10000xf32> to vector<32x10000xf32>
    %mul3A_10 = arith.mulf %add3A, %mul3A : vector<32x10000xf32>
    %get3A_11 = arith.constant 0 : index
    %get3A_12 = vector.load %arg3[%get3A_11] : memref<32xf32, #tpu.memory_space<vmem>>, vector<32xf32>
    %broadcast_in_dim3A = vector.shape_cast %get3A_12 : vector<32xf32> to vector<32x1xf32>
    %add3A_13 = vector.broadcast %broadcast_in_dim3A : vector<32x1xf32> to vector<32x10000xf32>
    %add3A_14 = arith.addf %mul3A_10, %add3A_13 : vector<32x10000xf32>
    %max3A = arith.constant 0.000000e+00 : f32
    %max3A_15 = vector.broadcast %max3A : f32 to vector<32x10000xf32>
    %max3A_16 = arith.maximumf %add3A_14, %max3A_15 : vector<32x10000xf32>
    %get3A_17 = arith.constant 0 : index
    %get3A_18 = arith.constant 0 : index
    %get3A_19 = vector.load %arg4[%get3A_17, %get3A_18] : memref<32x1xf32, #tpu.memory_space<vmem>>, vector<32x1xf32>
    %dot_general3A = arith.constant dense<0.000000e+00> : vector<1x10000xf32>
    %dot_general3A_20 = tpu.matmul %get3A_19, %max3A_16, %dot_general3A {dimension_numbers = #tpu.dot_dimension_numbers<[0], [0], [1], [1], [0, 1, 1, 1], [], []>, transpose_lhs_hint = false} : vector<32x1xf32>, vector<32x10000xf32>, vector<1x10000xf32> -> vector<1x10000xf32>
    %get3A_21 = arith.constant 0 : index
    %get3A_22 = vector.load %arg5[%get3A_21] : memref<1xf32, #tpu.memory_space<vmem>>, vector<1xf32>
    %broadcast_in_dim3A_23 = vector.shape_cast %get3A_22 : vector<1xf32> to vector<1x1xf32>
    %add3A_24 = vector.broadcast %broadcast_in_dim3A_23 : vector<1x1xf32> to vector<1x10000xf32>
    %add3A_25 = arith.addf %dot_general3A_20, %add3A_24 : vector<1x10000xf32>
    %swap3A = arith.constant 0 : index
    %swap3A_26 = arith.constant 0 : index
    %swap3A_27 = vector.load %arg6[%swap3A, %swap3A_26] : memref<1x10000xf32, #tpu.memory_space<vmem>>, vector<1x10000xf32>
    tpu.vector_store %arg6[%swap3A, %swap3A_26], %add3A_25 {strides = array<i32>} : memref<1x10000xf32, #tpu.memory_space<vmem>>, vector<1x10000xf32>,
    return
  }
}

</mosaic_0001>

<sc_bundles>
// kernel: kernel.12.cloned.1.call-start
scs
__scs_entry_jumppad:
0x0: {  	(pc) =	sbr.rel $0x88, $3  }
0x1: {  	(tag) =	ssettag $0x0;
	lr =	simm.s32 $0x1  }
0x2: {  	[smem:$0x3F98] =	sst lr;
	_ =	strace $0xD0000000  }
0x3: {  	_ = 	snop  }
0x4: {  	_ = 	snop  }
0x5: {  	_ = 	snop  }
0x6: {  	_ = 	snop  }
0x7: {  	_ = 	snop  }
__scs_overlays_trampoline_lowered:
0x8: {  	[smem:$0x3FA7] =	sst s0  }
0x9: {  	[smem:$0x3FA8] =	sst s1  }
0xa: {  	[smem:$0x3FA9] =	sst s2  }
0xb: {  	[smem:$0x3FAA] =	sst s3  }
0xc: {  	[smem:$0x3FAB] =	sst s4  }
0xd: {  	[smem:$0x3FAC] =	sst s5  }
0xe: {  	[smem:$0x3FAD] =	sst s6  }
0xf: {  	[smem:$0x3FAE] =	sst s7  }
0x10: {  	[smem:$0x3FAF] =	sst s8  }
0x11: {  	[smem:$0x3FB0] =	sst s9;
	s0 =	simm.s32 @!p0 $0x0  }
0x12: {  	s1 =	sld [smem:$0x3F96];
	s0 =	simm.s32 @p0 $0x1  }
0x13: {  	[smem:$0x3FB1] =	sst s0;
	s0 =	simm.s32 @!p1 $0x0  }
0x14: {  	s2 =	sld [smem:$0x3F95];
	s0 =	simm.s32 @p1 $0x1  }
0x15: {  	[smem:$0x3FB2] =	sst s0;
	s0 =	simm.s32 @!p2 $0x0  }
0x16: {  	s3 =	sld [smem:$0x3FDB];
	s0 =	simm.s32 @p2 $0x1  }
0x17: {  	s4 =	simm.s32 $0x1BF5;
	[smem:$0x3FB4] =	sst s0  }
0x18: {  	s0 =	sld [smem:$0x3F97];
	_ =	swait.ge [sflag:s4], $0x0  }
0x19: {  	s7 =	sld [smem:$0x3F98]  }
0x1a: {  	s8 =	sadd.s32 $0xFFFFE003, lr  }
0x1b: {  	s9 =	sadd.s32 $0xFFFFFEF7, lr;
	s5 =	simm.s32 $0xFFFFFFFF;
	p2 =	slt.u32 s8, $0xFFFFF086  }
0x1c: {  	p1 =	slt.u32 s9, $0xF7A;
	s5 =	simm.s32 @!p2 $0x0  }
0x1d: {  	s5 =	simm.s32 @p1 $0x1;
	p0 =	seq.s32 s7, s2  }
0x1e: {  	s7 =	smul.u32 @!p0 $0xF7A, s2;
	p2 =	seq.s32 @!p0 s5, $0x0  }
0x1f: {  	s9 =	smul.u32 $0xF7A, s1;
	s8 =	simm.s32 @!p0 $0x1BF5;
	p2 =	por !p2, p0  }
0x20: {  	[sflag:s8] =	ssyncset.s32 @!p0 $0xFFFFF086;
	s6 =	sadd.s32 @!p0 s3, s7;
	s7 =	simm.s32 @!p0 $0x108  }
0x21: {  	s3 =	sadd.s32 s3, s9;
	s6 =	sadd.s32 @!p0 $0x88, s6;
	s7 =	simm.s32 @p2 $0x1082  }
0x22: {  	[simem:s7], [sflag:s8] =	dma.local @!p0 [hbm:s6], $0xF7A  }
0x23: {  	s9 =	sor.u32 $0xD0000000, s2;
	s6 =	simm.s32 $0x108;
	_ =	swait.ge @!p0 [sflag:s8], $0x0  }
0x24: {  	s3 =	sadd.s32 $0x88, s3;
	s6 =	simm.s32 @!p1 $0x1082;
	[sflag:s4] =	ssyncset.s32 $0xFFFFF086  }
0x25: {  	[simem:s6], [sflag:s4] =	dma.local [hbm:s3], $0xF7A  }
0x26: {  	[smem:$0x3F98] =	sst s1;
	(tag) =	ssettag s2;
	_ =	strace s9  }
0x27: {  	s1 =	sld [smem:$0x3FA8]  }
0x28: {  	s2 =	sld [smem:$0x3FA9]  }
0x29: {  	s4 =	sld [smem:$0x3FAB]  }
0x2a: {  	p0 =	seq.s32 s5, $0x0;
	s5 =	sld [smem:$0x3FAC]  }
0x2b: {  	s6 =	sld [smem:$0x3FAD]  }
0x2c: {  	s7 =	sld [smem:$0x3FAE]  }
0x2d: {  	s3 =	simm.s32 $0x108;
	s8 =	sld [smem:$0x3FAF]  }
0x2e: {  	s3 =	simm.s32 @!p0 $0x1082;
	s9 =	sld [smem:$0x3FB0]  }
0x2f: {  	lr =	sadd.s32 s0, s3;
	s0 =	sld [smem:$0x3FA7]  }
0x30: {  	s3 =	sld [smem:$0x3FAA]  }
0x31: {  	[smem:$0x3FB3] =	sst s10  }
0x32: {  	s10 =	sld [smem:$0x3FB1];
	_ =	sdelay $0x3  }
0x33: {  	p0 =	seq.s32 s10, $0x1;
	s10 =	sld [smem:$0x3FB3];
	_ =	sdelay $0x3  }
0x34: {  	[smem:$0x3FB3] =	sst s10  }
0x35: {  	s10 =	sld [smem:$0x3FB2];
	_ =	sdelay $0x3  }
0x36: {  	p1 =	seq.s32 s10, $0x1;
	s10 =	sld [smem:$0x3FB3];
	_ =	sdelay $0x3  }
0x37: {  	[smem:$0x3FB3] =	sst s10  }
0x38: {  	s10 =	sld [smem:$0x3FB4]  }
0x39: {  	_ = 	snop;
	(pc) =	sbr.ind lr, $3  }
0x3a: {  	_ = 	snop  }
0x3b: {  	_ = 	snop  }
0x3c: {  	p2 =	seq.s32 s10, $0x1;
	s10 =	sld [smem:$0x3FB3]  }
0x3d: {  	_ =	shalt  }
0x3e: {  	_ =	shalt  }
0x3f: {  	_ =	shalt  }
0x40: {  	_ =	shalt  }
0x41: {  	_ =	shalt  }
0x42: {  	_ =	shalt  }
0x43: {  	_ =	shalt  }
0x44: {  	_ =	shalt  }
0x45: {  	_ =	shalt  }
0x46: {  	_ =	shalt  }
0x47: {  	_ =	shalt  }
0x48: {  	_ =	shalt  }
0x49: {  	_ =	shalt  }
0x4a: {  	_ =	shalt  }
0x4b: {  	_ =	shalt  }
0x4c: {  	_ =	shalt  }
0x4d: {  	_ =	shalt  }
0x4e: {  	_ =	shalt  }
0x4f: {  	_ =	shalt  }
0x50: {  	_ =	shalt  }
0x51: {  	_ =	shalt  }
0x52: {  	_ =	shalt  }
0x53: {  	_ =	shalt  }
0x54: {  	_ =	shalt  }
0x55: {  	_ =	shalt  }
0x56: {  	_ =	shalt  }
0x57: {  	_ =	shalt  }
0x58: {  	_ =	shalt  }
0x59: {  	_ =	shalt  }
0x5a: {  	_ =	shalt  }
0x5b: {  	_ =	shalt  }
0x5c: {  	_ =	shalt  }
0x5d: {  	_ =	shalt  }
0x5e: {  	_ =	shalt  }
0x5f: {  	_ =	shalt  }
0x60: {  	_ =	shalt  }
0x61: {  	_ =	shalt  }
0x62: {  	_ =	shalt  }
0x63: {  	_ =	shalt  }
0x64: {  	_ =	shalt  }
0x65: {  	_ =	shalt  }
0x66: {  	_ =	shalt  }
0x67: {  	_ =	shalt  }
0x68: {  	_ =	shalt  }
0x69: {  	_ =	shalt  }
0x6a: {  	_ =	shalt  }
0x6b: {  	_ =	shalt  }
0x6c: {  	_ =	shalt  }
0x6d: {  	_ =	shalt  }
0x6e: {  	_ =	shalt  }
0x6f: {  	_ =	shalt  }
0x70: {  	_ =	shalt  }
0x71: {  	_ =	shalt  }
0x72: {  	_ =	shalt  }
0x73: {  	_ =	shalt  }
0x74: {  	_ =	shalt  }
0x75: {  	_ =	shalt  }
0x76: {  	_ =	shalt  }
0x77: {  	_ =	shalt  }
0x78: {  	_ =	shalt  }
0x79: {  	_ =	shalt  }
0x7a: {  	_ =	shalt  }
0x7b: {  	_ =	shalt  }
0x7c: {  	_ =	shalt  }
0x7d: {  	_ =	shalt  }
0x7e: {  	_ =	shalt  }
0x7f: {  	_ =	shalt  }
0x80: {  	_ =	shalt  }
0x81: {  	_ =	shalt  }
0x82: {  	_ =	shalt  }
0x83: {  	_ =	shalt  }
0x84: {  	_ =	shalt  }
0x85: {  	_ =	shalt  }
0x86: {  	_ =	shalt  }
0x87: {  	_ =	shalt  }
.Lfunc_end0:
.L_simem_size_0:
called_computation.1_lowered:
.L_overlay_start_0:
0x88: {  	s2 =	sld [smem:$0x3FD9]  }
0x89: {  	s3 =	sld [smem:$0x3FFE];
	_ =	sdelay $0x1  }
0x8a: {  	s1 =	srdreg.scid  }
0x8b: {  	s0 =	sand.u32 $0x1, s1  }
0x8c: {  	s17 =	sshll.u32 s0, $0xA;
	s2 =	sadd.s32 s3, s2  }
0x8d: {  	s2 =	sadd.s32 s2, s17  }
0x8e: {  	[smem:$0x3FBF] =	sst s2  }
0x8f: {  	_ = 	snop  }
0x90: {  	s2 =	sld [smem:$0x3FC7];
	(tm) =	ssettm $0x1  }
0x91: {  	s18 =	sld [smem:$0x3FFB];
	_ =	sdelay $0x3  }
0x92: {  	_ =	strace s18  }
0x93: {  	s3 =	sld [smem:$0x3FFC];
	_ =	sdelay $0x3  }
0x94: {  	_ =	strace s3  }
0x95: {  	s3 =	sld [smem:$0x3FFD];
	_ =	sdelay $0x3  }
0x96: {  	_ =	strace s3  }
0x97: {  	_ =	strace $0x8FFFFFFF  }
0x98: {  	s19 =	sld [smem:$0x3FDB];
	_ =	sdelay $0x1  }
0x99: {  	s4 =	simm.s32 $_scs_section_size  }
0x9a: {  	s5 =	simm.s32 $_size__tile_overlayer_lowered;
	s6 =	simm.s32 $_tile_overlayer_lowered  }
0x9b: {  	s22 =	simm.s32 $0x1BFF;
	s21 =	sshll.u32 s6, $0x1;
	s3 =	sadd.s32 s4, s19  }
0x9c: {  	s7 =	simm.s32 $0x0;
	s20 =	sshll.u32 s5, $0x1;
	s5 =	sadd.s32 s21, s3  }
0x9d: {  	[timem:s7], [sflag:s22] =	dma.local [hbm:s5], s20  }
0x9e: {  	_ =	swait.ge [sflag:s22], s20  }
0x9f: {  	s4 =	ssub.s32 $0x0, s20;
	[sflag:s22] =	ssyncset.done $0x0  }
0xa0: {  	[sflag:s22] =	ssyncadd.s32 s4;
	_ =	sdelay $0x1  }
0xa1: {  	s23 =	simm.s32 $0x1B8B  }
0xa2: {  	_ =	swait.ge [sflag:s23], $0x1  }
0xa3: {  	[sflag:s23] =	ssyncset.done $0x0  }
0xa4: {  	s25 =	simm.s32 $0x1B8E;
	s24 =	sld [smem:$0x3FFE];
	[sflag:s23] =	ssyncadd.s32 $0xFFFFFFFF  }
0xa5: {  	s26 =	simm.s32 $execute0_lowered;
	[smem:$0x3FD2] =	sst s25  }
0xa6: {  	s5 =	sshll.u32 s26, $0x1;
	_ =	strace $0x80000049;
	[dreg:$0x1] =	wrdreg $0xFFFFFFFF  }
0xa7: {  	s28 =	simm.s32 $_size_execute0_lowered;
	s3 =	sadd.s32 s3, s5;
	[dreg:$0x0] =	wrdreg $0x0  }
0xa8: {  	s5 =	sshll.u32 s28, $0x1;
	[dreg:$0x2] =	wrdreg s3  }
0xa9: {  	[dreg:$0x3] =	wrdreg s5  }
0xaa: {  	[dreg:$0x4] =	wrdreg $0xC0  }
0xab: {  	_ =	task [dreg:s7], $0x5FFFF  }
0xac: {  	[dreg:$0x1] =	wrdreg $0xFFFFFFFF  }
0xad: {  	[dreg:$0x0] =	wrdreg $0x60  }
0xae: {  	[dreg:$0x2] =	wrdreg s24  }
0xaf: {  	[dreg:$0x3] =	wrdreg s2  }
0xb0: {  	[dreg:$0x4] =	wrdreg $0x9  }
0xb1: {  	_ =	task.clear_ibuf [dreg:s7], $0x5FFFF;
	_ =	strace $0x90000049  }
0xb2: {  	s29 =	simm.s32 $0x9;
	_ =	strace $0x8000004B  }
0xb3: {  	_ =	swait.ge [sflag:s29], $0x1  }
0xb4: {  	[sflag:s29] =	ssyncadd.s32 $0xFFFFFFFF  }
0xb5: {  	_ =	strace $0x9000004B  }
0xb6: {  	_ =	sfence  }
0xb7: {  	s30 =	sld [smem:$0x0];
	_ =	sdelay $0x2  }
0xb8: {  	s31 =	sshll.u32 s1, $0xD;
	s1 =	sshrl.u32 s1, $0x2  }
0xb9: {  	s3 =	sand.u32 $0x4000, s31;
	s1 =	sadd.s32 s1, s30  }
0xba: {  	s0 =	sor.u32 s3, s0;
	s1 =	sshll.u32 s1, $0x11  }
0xbb: {  	s0 =	sor.u32 s1, s0  }
0xbc: {  	s0 =	sadd.s32 $0x8F2B, s0  }
0xbd: {  	[sflag:s0] =	ssyncadd.remote.s32 $0x1  }
0xbe: {  	_ =	sfence.sel $0xFFFF  }
0xbf: {  	[dreg:$0x0] =	wrdreg $0xFFFFFFFF;
	(pc) =	sbr.abs _section_cstart, $3  }
0xc0: {  	[dreg:$0x1] =	wrdreg $0xFFFFFFFF  }
0xc1: {  	_ =	task.clear_ibuf [dreg:s7], $0x2FFFF;
	_ =	strace $0x9FFFFFFF  }
0xc2: {  	(tm) =	ssettm $0x7FFFFFFF  }
0xc3: {  	_ =	shalt  }
tec
execute0_lowered:
.L_overlay_start_1:
0x0: {  	(tag) =	ssettag $0x1  }
0x1: {  	s0 =	rddreg [dreg:$0x0]  }
0x2: {  	s1 =	rddreg [dreg:$0x1];
	s2 =	simm.s32 $0x0;
	s3 =	srdreg.scid  }
0x3: {  	s8 =	stileid.u32;
	s19 =	simm.s32 $0x2;
	s20 =	simm.s32 $0x2710  }
0x4: {  	s21 =	simm.s32 $0x4E20;
	s22 =	simm.s32 $0x7530;
	s23 =	simm.s32 $0x1  }
0x5: {  	s24 =	simm.s32 $0x9C40;
	s25 =	simm.s32 $0xC350;
	s28 =	simm.s32 $0x11170  }
0x6: {  	s29 =	simm.s32 $0x0;
	[smem:$0x7FF] =	sst s2;
	s11 =	sadd.s32 $0x1E00, s0  }
0x7: {  	s3 =	sand.u32 $0x1, s3;
	s5 =	sadd.s32 $0x15A00, s0;
	s10 =	smul.u32 $0x9C40, s8  }
0x8: {  	s0 =	sadd.s32 $0x1F800, s0;
	s6 =	ssub.s32 $0x2, s3;
	s4 =	smul.u32 $0x27100, s3  }
0x9: {  	_ =	strace $0x8000004A;
	s3 =	smul.u32 $0x9C400, s3;
	s7 =	sshrl.u32 s6, $0x1  }
0xa: {  	s13 =	sadd.s32 $0x2710, s10;
	s8 =	sshrl.u32 s10, $0x3;
	s14 =	sadd.s32 $0x4E20, s10  }
0xb: {  	s15 =	sadd.s32 $0x7530, s10;
	s16 =	ssub.s32 s6, s7;
	s26 =	sshrl.u32 s4, $0x3  }
0xc: {  	s9 =	sshrl.u32 s13, $0x3;
	s8 =	sadd.s32 s11, s8;
	s12 =	sshrl.u32 s14, $0x3  }
0xd: {  	s17 =	sadd.s32 s10, s3;
	s31 =	sshrl.u32 s15, $0x3;
	s13 =	sadd.s32 s3, s13  }
0xe: {  	s14 =	sadd.s32 s3, s14;
	s3 =	sadd.s32 s3, s15;
	s30 =	sadd.s32 s5, s26  }
0xf: {  	s7 =	sadd.s32 s1, s26;
	s9 =	sadd.s32 s11, s9;
	s10 =	sadd.s32 s11, s12  }
0x10: {  	s17 =	sshrl.u32 s17, $0x3;
	s11 =	sadd.s32 s11, s31;
	s13 =	sshrl.u32 s13, $0x3  }
0x11: {  	s14 =	sshrl.u32 s14, $0x3;
	s3 =	sshrl.u32 s3, $0x3;
	s16 =	smax.u32 s16, $0x1  }
0x12: {  	s26 =	simm.s32 $0xEA60;
	[dreg:$0x3] =	wrdreg s30;
	s12 =	sadd.s32 s0, s17  }
0x13: {  	v0 =	vimm.f32 $0.0e+00;
	s13 =	sadd.s32 s0, s13;
	s14 =	sadd.s32 s0, s14;
	s15 =	sadd.s32 s0, s3  }
.LBB2_1:
0x14: {  	s0 =	rddreg [dreg:$0x3];
	s3 =	simm.s32 $0x13880  }
0x15: {  	[tilespmem:s3], [sflag:$0x1] =	stream.linear.gather [hbm4b:s0+s2], $0x7D0, $0x38;
	[tilespmem:$0x157C0] =	vst v63  }
0x16: {  	s31 =	simm.s32 $0x14820  }
0x17: {  	[tilespmem:s31], [sflag:$0x1] =	stream.linear.gather [hbm4b:s7+s2], $0x7D0, $0x38;
	[tilespmem:$0x157C0] =	vst v63  }
0x18: {  	_ = 	snop  }
0x19: {  	[tilespmem:s2], [sflag:$0x2] =	stream.linear.gather [hbm4b:s8+s2], $0x2710, $0x38;
	[tilespmem:$0x157C0] =	vst v63  }
0x1a: {  	_ =	swait.ge [sflag:s19], $0x2710  }
0x1b: {  	[sflag:s19] =	ssyncset.done $0x0  }
0x1c: {  	[sflag:s19] =	ssyncadd.s32 $0xFFFFD8F0  }
0x1d: {  	[tilespmem:s20], [sflag:$0x2] =	stream.linear.gather [hbm4b:s9+s2], $0x2710, $0x38;
	[tilespmem:$0x157C0] =	vst v63  }
0x1e: {  	_ =	swait.ge [sflag:s19], $0x2710  }
0x1f: {  	[sflag:s19] =	ssyncset.done $0x0  }
0x20: {  	[sflag:s19] =	ssyncadd.s32 $0xFFFFD8F0  }
0x21: {  	[tilespmem:s21], [sflag:$0x2] =	stream.linear.gather [hbm4b:s10+s2], $0x2710, $0x38;
	[tilespmem:$0x157C0] =	vst v63  }
0x22: {  	_ =	swait.ge [sflag:s19], $0x2710  }
0x23: {  	[sflag:s19] =	ssyncset.done $0x0  }
0x24: {  	[sflag:s19] =	ssyncadd.s32 $0xFFFFD8F0  }
0x25: {  	[tilespmem:s22], [sflag:$0x2] =	stream.linear.gather [hbm4b:s11+s2], $0x2710, $0x38;
	[tilespmem:$0x157C0] =	vst v63  }
0x26: {  	_ =	swait.ge [sflag:s19], $0x2710  }
0x27: {  	[sflag:s19] =	ssyncset.done $0x0  }
0x28: {  	s0 =	simm.s32 $0x0;
	[sflag:s19] =	ssyncadd.s32 $0xFFFFD8F0  }
.LBB2_2:
0x29: {  	p0 =	seq.s32 s0, $0x9C00  }
.Ltmp0:
0x2a: {  	s3 =	sshra.s32 s0, $0x2;
	(pc) =	sbr.rel @!p0 .LBB2_2-.Ltmp0, $4  }
0x2b: {  	[tilespmem:s3+$0x9C40] =	vst v0  }
0x2c: {  	[tilespmem:s3+$0xC350] =	vst v0  }
0x2d: {  	[tilespmem:s3+$0xEA60] =	vst v0  }
0x2e: {  	s0 =	sadd.s32 $0x40, s0;
	[tilespmem:s3+$0x11170] =	vst v0  }
0x2f: {  	s30 =	simm.s32 $0x0  }
.LBB2_5:
0x30: {  	s0 =	smov.u32 s30;
	_ =	swait.ge [sflag:s23], $0x7D0;
	s30 =	sadd.s32 $0x1, s30  }
0x31: {  	p0 =	seq.s32 s0, $0x4F;
	[sflag:s23] =	ssyncset.done $0x0;
	s0 =	sand.u32 $0x1, s0  }
0x32: {  	s3 =	sand.u32 @!p0 $0x1, s30;
	[sflag:s23] =	ssyncadd.s32 $0xFFFFF830;
	s31 =	smul.u32 @!p0 $0x7D0, s30  }
0x33: {  	s6 =	simm.s32 @!p0 $0x0;
	p1 =	seq.s32 @!p0 s3, $0x1;
	_ =	swait.ge [sflag:s23], $0x7D0  }
0x34: {  	s3 =	simm.s32 @!p0 $0x7D0;
	p1 =	por !p1, p0;
	[sflag:s23] =	ssyncset.done $0x0  }
0x35: {  	s3 =	simm.s32 @p1 $0x0;
	p1 =	seq.s32 s0, $0x1;
	s0 =	sadd.s32 @!p0 s4, s31  }
0x36: {  	s31 =	simm.s32 $0x7D0;
	[sflag:s23] =	ssyncadd.s32 $0xFFFFF830;
	s0 =	sshrl.u32 @!p0 s0, $0x3  }
0x37: {  	s17 =	sadd.s32 @!p0 $0x13880, s3;
	s31 =	simm.s32 @!p1 $0x0;
	s18 =	sadd.s32 @!p0 s5, s0  }
0x38: {  	[tilespmem:s17], [sflag:$0x1] =	stream.linear.gather @!p0 [hbm4b:s18+s6], $0x7D0, $0x38;
	[tilespmem:$0x157C0] =	vst v63  }
0x39: {  	s3 =	sor.u32 @!p0 $0x14820, s3;
	s0 =	sadd.s32 @!p0 s1, s0;
	s18 =	sadd.s32 $0x138A0, s31  }
0x3a: {  	[tilespmem:s3], [sflag:$0x1] =	stream.linear.gather @!p0 [hbm4b:s0+s6], $0x7D0, $0x38;
	[tilespmem:$0x157C0] =	vst v63  }
0x3b: {  	v3 =	vld [tilespmem:s18+$0x20]  }
0x3c: {  	v4 =	vld [tilespmem:s18+$0xFFFFFFE0];
	_ =	sdelay $0x2  }
0x3d: {  	v5 =	vld [tilespmem:s18+$0xFFFFFFF0]  }
0x3e: {  	v6 =	vld [tilespmem:s18+$0x0];
	v11 =	vand.u32 $0xFFFF, v3  }
0x3f: {  	v12 =	vld [tilespmem:s18+$0x10];
	v14 =	vand.u32 $0xFFFF, v4  }
0x40: {  	s31 =	sadd.s32 $0x14840, s31  }
0x41: {  	v15 =	vld [tilespmem:s31+$0x20]  }
0x42: {  	v10 =	vld [tilespmem:s31+$0xFFFFFFE0];
	v13 =	vand.u32 $0xFFFF, v5  }
0x43: {  	v1 =	vand.u32 $0xFFFF, v6;
	v7 =	vld.idx.msk [tilespmem:v11+s2+$0x0], $0xffff  }
0x44: {  	v2 =	vand.u32 $0xFFFF, v12;
	v19 =	vld.idx.msk [tilespmem:v14+s2+$0x0], $0xffff  }
0x45: {  	v9 =	vld [tilespmem:s31+$0xFFFFFFF0];
	v18 =	vshrl.u32 v3, $0x10  }
0x46: {  	v8 =	vld [tilespmem:s31+$0x0];
	v4 =	vshrl.u32 v4, $0x10  }
0x47: {  	v16 =	vld.idx.msk [tilespmem:v13+s2+$0x0], $0xffff  }
0x48: {  	v17 =	vld.idx.msk [tilespmem:v1+s2+$0x0], $0xffff;
	v7 =	vmul.f32 v7, v15  }
0x49: {  	v3 =	vshrl.u32 v5, $0x10;
	v20 =	vld.idx.msk [tilespmem:v2+s2+$0x0], $0xffff;
	v5 =	vmul.f32 v19, v10  }
0x4a: {  	[tilespmem:v18+s24+$0x0] =	vst.idx.add.f32.msk $0xffff, v7  }
0x4b: {  	[tilespmem:v4+s24+$0x0] =	vst.idx.add.f32.msk $0xffff, v5  }
0x4c: {  	v16 =	vmul.f32 v16, v9;
	v5 =	vshrl.u32 v6, $0x10;
	v21 =	vld.idx.msk [tilespmem:v11+s20+$0x0], $0xffff  }
0x4d: {  	v7 =	vld [tilespmem:s31+$0x10]  }
0x4e: {  	[tilespmem:v3+s24+$0x0] =	vst.idx.add.f32.msk $0xffff, v16  }
0x4f: {  	v17 =	vmul.f32 v17, v8;
	v6 =	vshrl.u32 v12, $0x10;
	v12 =	vld.idx.msk [tilespmem:v14+s20+$0x0], $0xffff  }
0x50: {  	v55 =	vld.idx.msk [tilespmem:v13+s20+$0x0], $0xffff  }
0x51: {  	[tilespmem:v5+s24+$0x0] =	vst.idx.add.f32.msk $0xffff, v17;
	v54 =	vmul.f32 v21, v15  }
0x52: {  	v58 =	vld.idx.msk [tilespmem:v1+s20+$0x0], $0xffff  }
0x53: {  	v56 =	vmul.f32 v20, v7;
	[tilespmem:v18+s25+$0x0] =	vst.idx.add.f32.msk $0xffff, v54  }
0x54: {  	v57 =	vld.idx.msk [tilespmem:v11+s21+$0x0], $0xffff  }
0x55: {  	v12 =	vmul.f32 v12, v10;
	[tilespmem:v6+s24+$0x0] =	vst.idx.add.f32.msk $0xffff, v56  }
0x56: {  	v59 =	vmul.f32 v55, v9;
	v60 =	vld.idx.msk [tilespmem:v2+s20+$0x0], $0xffff  }
0x57: {  	[tilespmem:v4+s25+$0x0] =	vst.idx.add.f32.msk $0xffff, v12  }
0x58: {  	[tilespmem:v3+s25+$0x0] =	vst.idx.add.f32.msk $0xffff, v59  }
0x59: {  	v61 =	vld.idx.msk [tilespmem:v14+s21+$0x0], $0xffff;
	v12 =	vmul.f32 v57, v15  }
0x5a: {  	v62 =	vld.idx.msk [tilespmem:v13+s21+$0x0], $0xffff  }
0x5b: {  	v19 =	vmul.f32 v60, v7;
	[tilespmem:v18+s26+$0x0] =	vst.idx.add.f32.msk $0xffff, v12  }
0x5c: {  	v12 =	vmul.f32 v58, v8;
	v11 =	vld.idx.msk [tilespmem:v11+s22+$0x0], $0xffff  }
0x5d: {  	[tilespmem:v6+s25+$0x0] =	vst.idx.add.f32.msk $0xffff, v19  }
0x5e: {  	[tilespmem:v5+s25+$0x0] =	vst.idx.add.f32.msk $0xffff, v12  }
0x5f: {  	v12 =	vmul.f32 v61, v10;
	v63 =	vld.idx.msk [tilespmem:v1+s21+$0x0], $0xffff  }
0x60: {  	v19 =	vld.idx.msk [tilespmem:v2+s21+$0x0], $0xffff  }
0x61: {  	[tilespmem:v4+s26+$0x0] =	vst.idx.add.f32.msk $0xffff, v12;
	v12 =	vmul.f32 v11, v15  }
0x62: {  	v11 =	vld.idx.msk [tilespmem:v14+s22+$0x0], $0xffff;
	v14 =	vmul.f32 v62, v9  }
0x63: {  	[tilespmem:v18+s28+$0x0] =	vst.idx.add.f32.msk $0xffff, v12  }
0x64: {  	[tilespmem:v3+s26+$0x0] =	vst.idx.add.f32.msk $0xffff, v14;
	v14 =	vmul.f32 v63, v8  }
0x65: {  	v12 =	vld.idx.msk [tilespmem:v13+s22+$0x0], $0xffff  }
0x66: {  	s0 =	simm.s32 $0x0;
	s3 =	sadd.s32 $0x50, s18;
	v13 =	vmul.f32 v19, v7;
	[tilespmem:v5+s26+$0x0] =	vst.idx.add.f32.msk $0xffff, v14  }
.LBB2_6:
0x67: {  	v14 =	vld [tilespmem:s3+$0x20];
	s0 =	sadd.s32 $0x5, s0;
	v10 =	vmul.f32 v11, v10  }
0x68: {  	v11 =	vld [tilespmem:s3+$0xFFFFFFF0];
	p0 =	slt.u32 s0, $0x78  }
0x69: {  	v15 =	vld [tilespmem:s3+$0x0]  }
0x6a: {  	v9 =	vmul.f32 v12, v9;
	v16 =	vld [tilespmem:s3+$0x10]  }
0x6b: {  	v12 =	vld [tilespmem:s3+$0xFFFFFFE0]  }
0x6c: {  	v17 =	vand.u32 $0xFFFF, v14;
	[tilespmem:v6+s26+$0x0] =	vst.idx.add.f32.msk $0xffff, v13  }
0x6d: {  	v13 =	vshrl.u32 v11, $0x10;
	v18 =	vand.u32 $0xFFFF, v11;
	v11 =	vld.idx.msk [tilespmem:v1+s22+$0x0], $0xffff  }
0x6e: {  	v19 =	vshrl.u32 v15, $0x10;
	v1 =	vand.u32 $0xFFFF, v15;
	v15 =	vld.idx.msk [tilespmem:v2+s22+$0x0], $0xffff  }
0x6f: {  	v20 =	vshrl.u32 v16, $0x10;
	v2 =	vand.u32 $0xFFFF, v16;
	[tilespmem:v4+s28+$0x0] =	vst.idx.add.f32.msk $0xffff, v10  }
0x70: {  	v4 =	vshrl.u32 v12, $0x10;
	v12 =	vand.u32 $0xFFFF, v12;
	[tilespmem:v3+s28+$0x0] =	vst.idx.add.f32.msk $0xffff, v9;
	v3 =	vmov v13  }
0x71: {  	s31 =	sadd.s32 $0x50, s31;
	v9 =	vld.idx.msk [tilespmem:v17+s2+$0x0], $0xffff  }
0x72: {  	v13 =	vld [tilespmem:s31+$0x20]  }
0x73: {  	v11 =	vmul.f32 v11, v8;
	v16 =	vld.idx.msk [tilespmem:v18+s2+$0x0], $0xffff  }
0x74: {  	v14 =	vshrl.u32 v14, $0x10;
	v15 =	vmul.f32 v15, v7;
	v21 =	vld.idx.msk [tilespmem:v1+s2+$0x0], $0xffff  }
0x75: {  	v7 =	vld.idx.msk [tilespmem:v12+s2+$0x0], $0xffff  }
0x76: {  	v22 =	vld.idx.msk [tilespmem:v2+s2+$0x0], $0xffff  }
0x77: {  	v10 =	vld [tilespmem:s31+$0xFFFFFFE0];
	v8 =	vmul.f32 v9, v13  }
0x78: {  	v9 =	vld [tilespmem:s31+$0xFFFFFFF0]  }
0x79: {  	[tilespmem:v14+s24+$0x0] =	vst.idx.add.f32.msk $0xffff, v8  }
0x7a: {  	v23 =	vld.idx.msk [tilespmem:v17+s20+$0x0], $0xffff  }
0x7b: {  	v8 =	vld [tilespmem:s31+$0x0]  }
0x7c: {  	v24 =	vmul.f32 v7, v10;
	v7 =	vld [tilespmem:s31+$0x10]  }
0x7d: {  	v16 =	vmul.f32 v16, v9;
	[tilespmem:v5+s28+$0x0] =	vst.idx.add.f32.msk $0xffff, v11;
	v5 =	vmov v19  }
0x7e: {  	[tilespmem:v4+s24+$0x0] =	vst.idx.add.f32.msk $0xffff, v24  }
0x7f: {  	[tilespmem:v3+s24+$0x0] =	vst.idx.add.f32.msk $0xffff, v16  }
0x80: {  	v19 =	vmul.f32 v23, v13;
	v11 =	vld.idx.msk [tilespmem:v12+s20+$0x0], $0xffff;
	v16 =	vmul.f32 v21, v8  }
0x81: {  	v21 =	vld.idx.msk [tilespmem:v18+s20+$0x0], $0xffff;
	v22 =	vmul.f32 v22, v7  }
0x82: {  	[tilespmem:v14+s25+$0x0] =	vst.idx.add.f32.msk $0xffff, v19  }
0x83: {  	v19 =	vld.idx.msk [tilespmem:v17+s21+$0x0], $0xffff  }
0x84: {  	[tilespmem:v5+s24+$0x0] =	vst.idx.add.f32.msk $0xffff, v16  }
0x85: {  	[tilespmem:v20+s24+$0x0] =	vst.idx.add.f32.msk $0xffff, v22  }
0x86: {  	v11 =	vmul.f32 v11, v10;
	v16 =	vld.idx.msk [tilespmem:v1+s20+$0x0], $0xffff  }
0x87: {  	v21 =	vmul.f32 v21, v9;
	v22 =	vld.idx.msk [tilespmem:v2+s20+$0x0], $0xffff  }
0x88: {  	[tilespmem:v4+s25+$0x0] =	vst.idx.add.f32.msk $0xffff, v11  }
0x89: {  	v11 =	vmul.f32 v19, v13;
	[tilespmem:v3+s25+$0x0] =	vst.idx.add.f32.msk $0xffff, v21  }
0x8a: {  	v19 =	vld.idx.msk [tilespmem:v12+s21+$0x0], $0xffff  }
0x8b: {  	[tilespmem:v14+s26+$0x0] =	vst.idx.add.f32.msk $0xffff, v11  }
0x8c: {  	v11 =	vmul.f32 v16, v8;
	v16 =	vld.idx.msk [tilespmem:v17+s22+$0x0], $0xffff  }
0x8d: {  	v21 =	vmul.f32 v22, v7;
	v17 =	vld.idx.msk [tilespmem:v18+s21+$0x0], $0xffff  }
0x8e: {  	[tilespmem:v5+s25+$0x0] =	vst.idx.add.f32.msk $0xffff, v11  }
0x8f: {  	[tilespmem:v20+s25+$0x0] =	vst.idx.add.f32.msk $0xffff, v21  }
0x90: {  	v11 =	vmul.f32 v19, v10;
	v19 =	vld.idx.msk [tilespmem:v1+s21+$0x0], $0xffff  }
0x91: {  	v21 =	vld.idx.msk [tilespmem:v2+s21+$0x0], $0xffff  }
0x92: {  	v13 =	vmul.f32 v16, v13;
	[tilespmem:v4+s26+$0x0] =	vst.idx.add.f32.msk $0xffff, v11  }
0x93: {  	v11 =	vld.idx.msk [tilespmem:v12+s22+$0x0], $0xffff;
	v12 =	vmul.f32 v17, v9  }
.Ltmp1:
0x94: {  	[tilespmem:v14+s28+$0x0] =	vst.idx.add.f32.msk $0xffff, v13;
	(pc) =	sbr.rel @p0 .LBB2_6-.Ltmp1, $4  }
0x95: {  	[tilespmem:v3+s26+$0x0] =	vst.idx.add.f32.msk $0xffff, v12  }
0x96: {  	v14 =	vmul.f32 v19, v8;
	v12 =	vld.idx.msk [tilespmem:v18+s22+$0x0], $0xffff  }
0x97: {  	v13 =	vmul.f32 v21, v7;
	[tilespmem:v6+s28+$0x0] =	vst.idx.add.f32.msk $0xffff, v15;
	v6 =	vmov v20  }
0x98: {  	s3 =	sadd.s32 $0x50, s3;
	[tilespmem:v5+s26+$0x0] =	vst.idx.add.f32.msk $0xffff, v14  }
0x99: {  	_ =	sdelay $0x3  }
0x9a: {  	[tilespmem:v6+s26+$0x0] =	vst.idx.add.f32.msk $0xffff, v13  }
0x9b: {  	v1 =	vld.idx.msk [tilespmem:v1+s22+$0x0], $0xffff  }
0x9c: {  	v2 =	vld.idx.msk [tilespmem:v2+s22+$0x0], $0xffff;
	_ =	sdelay $0x1  }
0x9d: {  	v10 =	vmul.f32 v11, v10  }
0x9e: {  	v9 =	vmul.f32 v12, v9  }
0x9f: {  	[tilespmem:v4+s28+$0x0] =	vst.idx.add.f32.msk $0xffff, v10;
	v1 =	vmul.f32 v1, v8  }
0xa0: {  	[tilespmem:v3+s28+$0x0] =	vst.idx.add.f32.msk $0xffff, v9;
	v2 =	vmul.f32 v2, v7  }
0xa1: {  	[tilespmem:v5+s28+$0x0] =	vst.idx.add.f32.msk $0xffff, v1  }
0xa2: {  	[tilespmem:v6+s28+$0x0] =	vst.idx.add.f32.msk $0xffff, v2  }
0xa3: {  	p0 =	seq.s32 s30, $0x50  }
.Ltmp2:
0xa4: {  	_ = 	snop;
	(pc) =	sbr.rel @!p0 .LBB2_5-.Ltmp2, $1  }
0xa5: {  	_ =	sdelay $0x3  }
0xa6: {  	[hbm4b:s12+s2] =	stream.linear.scatter [tilespmem:s24], [sflag:$0x2], $0x2710, $0x38;
	[tilespmem:$0x157C0] =	vst v63  }
0xa7: {  	_ =	swait.ge [sflag:s19], $0x2710  }
0xa8: {  	[sflag:s19] =	ssyncset.done $0x0  }
0xa9: {  	[sflag:s19] =	ssyncadd.s32 $0xFFFFD8F0  }
0xaa: {  	[hbm4b:s13+s2] =	stream.linear.scatter [tilespmem:s25], [sflag:$0x2], $0x2710, $0x38;
	[tilespmem:$0x157C0] =	vst v63  }
0xab: {  	_ =	swait.ge [sflag:s19], $0x2710  }
0xac: {  	[sflag:s19] =	ssyncset.done $0x0  }
0xad: {  	[sflag:s19] =	ssyncadd.s32 $0xFFFFD8F0  }
0xae: {  	[hbm4b:s14+s2] =	stream.linear.scatter [tilespmem:s26], [sflag:$0x2], $0x2710, $0x38;
	[tilespmem:$0x157C0] =	vst v63  }
0xaf: {  	s29 =	sadd.s32 $0x1, s29;
	_ =	swait.ge [sflag:s19], $0x2710  }
0xb0: {  	p0 =	sne.s32 s29, s16;
	[sflag:s19] =	ssyncset.done $0x0  }
.Ltmp3:
0xb1: {  	[sflag:s19] =	ssyncadd.s32 $0xFFFFD8F0;
	(pc) =	sbr.rel @p0 .LBB2_1-.Ltmp3, $4  }
0xb2: {  	[hbm4b:s15+s2] =	stream.linear.scatter [tilespmem:s28], [sflag:$0x2], $0x2710, $0x38;
	[tilespmem:$0x157C0] =	vst v63  }
0xb3: {  	_ =	swait.ge [sflag:s19], $0x2710  }
0xb4: {  	[sflag:s19] =	ssyncset.done $0x0  }
0xb5: {  	[sflag:s19] =	ssyncadd.s32 $0xFFFFD8F0  }
0xb6: {  	_ =	sfence.sel $0x180000  }
0xb7: {  	[bflag:$0x0] =	sbarrier.arrive $0xFFFF  }
0xb8: {  	_ =	strace $0x9000004A  }
0xb9: {  	s0 =	stileid.u32;
	[bflag:$0x2] =	sbarrier.arrive $0xFFFF  }
0xba: {  	p0 =	sne.s32 s0, $0x0;
	s0 =	rddreg [dreg:$0x2]  }
0xbb: {  	s0 =	sadd.s32 @!p0 $0x100000, s0  }
0xbc: {  	[sflag:s0] =	ssyncadd.tile.s32 @!p0 $0x1;
	_ =	shalt  }
.Lfunc_end2:
_tile_overlayer_lowered:
.L_overlay_start_2:
0xbd: {  	(tag) =	ssettag $0x2  }
0xbe: {  	s0 =	rddreg [dreg:$0x0];
	s2 =	stileid.u32  }
0xbf: {  	s1 =	rddreg [dreg:$0x1];
	p0 =	sne.s32 s2, $0x0  }
0xc0: {  	s3 =	rddreg [dreg:$0x2];
	[bflag:$0x3] =	sbarrier.arrive $0xFFFF;
	s2 =	simm.s32 @!p0 $0x1C02  }
0xc1: {  	[timem:s3], [sflag:s2] =	dma.local @!p0 [hbm:s0], s1  }
0xc2: {  	s0 =	simm.s32 @!p0 $0x2  }
0xc3: {  	_ =	swait.ge @!p0 [sflag:s0], s1  }
0xc4: {  	s1 =	ssub.s32 @!p0 $0x0, s1;
	[sflag:s0] =	ssyncset.done @!p0 $0x0  }
0xc5: {  	[sflag:s0] =	ssyncadd.s32 @!p0 s1  }
0xc6: {  	[bflag:$0x3] =	sbarrier.arrive $0xFFFF  }
0xc7: {  	_ =	shalt  }

// kernel: kernel.15.cloned.1.call-start
scs
__scs_entry_jumppad:
0x0: {  	(pc) =	sbr.rel $0x88, $3  }
0x1: {  	(tag) =	ssettag $0x0;
	lr =	simm.s32 $0x1  }
0x2: {  	[smem:$0x3F98] =	sst lr;
	_ =	strace $0xD0000000  }
0x3: {  	_ = 	snop  }
0x4: {  	_ = 	snop  }
0x5: {  	_ = 	snop  }
0x6: {  	_ = 	snop  }
0x7: {  	_ = 	snop  }
__scs_overlays_trampoline_lowered:
0x8: {  	[smem:$0x3FA7] =	sst s0  }
0x9: {  	[smem:$0x3FA8] =	sst s1  }
0xa: {  	[smem:$0x3FA9] =	sst s2  }
0xb: {  	[smem:$0x3FAA] =	sst s3  }
0xc: {  	[smem:$0x3FAB] =	sst s4  }
0xd: {  	[smem:$0x3FAC] =	sst s5  }
0xe: {  	[smem:$0x3FAD] =	sst s6  }
0xf: {  	[smem:$0x3FAE] =	sst s7  }
0x10: {  	[smem:$0x3FAF] =	sst s8  }
0x11: {  	[smem:$0x3FB0] =	sst s9;
	s0 =	simm.s32 @!p0 $0x0  }
0x12: {  	s1 =	sld [smem:$0x3F96];
	s0 =	simm.s32 @p0 $0x1  }
0x13: {  	[smem:$0x3FB1] =	sst s0;
	s0 =	simm.s32 @!p1 $0x0  }
0x14: {  	s2 =	sld [smem:$0x3F95];
	s0 =	simm.s32 @p1 $0x1  }
0x15: {  	[smem:$0x3FB2] =	sst s0;
	s0 =	simm.s32 @!p2 $0x0  }
0x16: {  	s3 =	sld [smem:$0x3FDB];
	s0 =	simm.s32 @p2 $0x1  }
0x17: {  	s4 =	simm.s32 $0x1BF5;
	[smem:$0x3FB4] =	sst s0  }
0x18: {  	s0 =	sld [smem:$0x3F97];
	_ =	swait.ge [sflag:s4], $0x0  }
0x19: {  	s7 =	sld [smem:$0x3F98]  }
0x1a: {  	s8 =	sadd.s32 $0xFFFFE003, lr  }
0x1b: {  	s9 =	sadd.s32 $0xFFFFFEF7, lr;
	s5 =	simm.s32 $0xFFFFFFFF;
	p2 =	slt.u32 s8, $0xFFFFF086  }
0x1c: {  	p1 =	slt.u32 s9, $0xF7A;
	s5 =	simm.s32 @!p2 $0x0  }
0x1d: {  	s5 =	simm.s32 @p1 $0x1;
	p0 =	seq.s32 s7, s2  }
0x1e: {  	s7 =	smul.u32 @!p0 $0xF7A, s2;
	p2 =	seq.s32 @!p0 s5, $0x0  }
0x1f: {  	s9 =	smul.u32 $0xF7A, s1;
	s8 =	simm.s32 @!p0 $0x1BF5;
	p2 =	por !p2, p0  }
0x20: {  	[sflag:s8] =	ssyncset.s32 @!p0 $0xFFFFF086;
	s6 =	sadd.s32 @!p0 s3, s7;
	s7 =	simm.s32 @!p0 $0x108  }
0x21: {  	s3 =	sadd.s32 s3, s9;
	s6 =	sadd.s32 @!p0 $0x88, s6;
	s7 =	simm.s32 @p2 $0x1082  }
0x22: {  	[simem:s7], [sflag:s8] =	dma.local @!p0 [hbm:s6], $0xF7A  }
0x23: {  	s9 =	sor.u32 $0xD0000000, s2;
	s6 =	simm.s32 $0x108;
	_ =	swait.ge @!p0 [sflag:s8], $0x0  }
0x24: {  	s3 =	sadd.s32 $0x88, s3;
	s6 =	simm.s32 @!p1 $0x1082;
	[sflag:s4] =	ssyncset.s32 $0xFFFFF086  }
0x25: {  	[simem:s6], [sflag:s4] =	dma.local [hbm:s3], $0xF7A  }
0x26: {  	[smem:$0x3F98] =	sst s1;
	(tag) =	ssettag s2;
	_ =	strace s9  }
0x27: {  	s1 =	sld [smem:$0x3FA8]  }
0x28: {  	s2 =	sld [smem:$0x3FA9]  }
0x29: {  	s4 =	sld [smem:$0x3FAB]  }
0x2a: {  	p0 =	seq.s32 s5, $0x0;
	s5 =	sld [smem:$0x3FAC]  }
0x2b: {  	s6 =	sld [smem:$0x3FAD]  }
0x2c: {  	s7 =	sld [smem:$0x3FAE]  }
0x2d: {  	s3 =	simm.s32 $0x108;
	s8 =	sld [smem:$0x3FAF]  }
0x2e: {  	s3 =	simm.s32 @!p0 $0x1082;
	s9 =	sld [smem:$0x3FB0]  }
0x2f: {  	lr =	sadd.s32 s0, s3;
	s0 =	sld [smem:$0x3FA7]  }
0x30: {  	s3 =	sld [smem:$0x3FAA]  }
0x31: {  	[smem:$0x3FB3] =	sst s10  }
0x32: {  	s10 =	sld [smem:$0x3FB1];
	_ =	sdelay $0x3  }
0x33: {  	p0 =	seq.s32 s10, $0x1;
	s10 =	sld [smem:$0x3FB3];
	_ =	sdelay $0x3  }
0x34: {  	[smem:$0x3FB3] =	sst s10  }
0x35: {  	s10 =	sld [smem:$0x3FB2];
	_ =	sdelay $0x3  }
0x36: {  	p1 =	seq.s32 s10, $0x1;
	s10 =	sld [smem:$0x3FB3];
	_ =	sdelay $0x3  }
0x37: {  	[smem:$0x3FB3] =	sst s10  }
0x38: {  	s10 =	sld [smem:$0x3FB4]  }
0x39: {  	_ = 	snop;
	(pc) =	sbr.ind lr, $3  }
0x3a: {  	_ = 	snop  }
0x3b: {  	_ = 	snop  }
0x3c: {  	p2 =	seq.s32 s10, $0x1;
	s10 =	sld [smem:$0x3FB3]  }
0x3d: {  	_ =	shalt  }
0x3e: {  	_ =	shalt  }
0x3f: {  	_ =	shalt  }
0x40: {  	_ =	shalt  }
0x41: {  	_ =	shalt  }
0x42: {  	_ =	shalt  }
0x43: {  	_ =	shalt  }
0x44: {  	_ =	shalt  }
0x45: {  	_ =	shalt  }
0x46: {  	_ =	shalt  }
0x47: {  	_ =	shalt  }
0x48: {  	_ =	shalt  }
0x49: {  	_ =	shalt  }
0x4a: {  	_ =	shalt  }
0x4b: {  	_ =	shalt  }
0x4c: {  	_ =	shalt  }
0x4d: {  	_ =	shalt  }
0x4e: {  	_ =	shalt  }
0x4f: {  	_ =	shalt  }
0x50: {  	_ =	shalt  }
0x51: {  	_ =	shalt  }
0x52: {  	_ =	shalt  }
0x53: {  	_ =	shalt  }
0x54: {  	_ =	shalt  }
0x55: {  	_ =	shalt  }
0x56: {  	_ =	shalt  }
0x57: {  	_ =	shalt  }
0x58: {  	_ =	shalt  }
0x59: {  	_ =	shalt  }
0x5a: {  	_ =	shalt  }
0x5b: {  	_ =	shalt  }
0x5c: {  	_ =	shalt  }
0x5d: {  	_ =	shalt  }
0x5e: {  	_ =	shalt  }
0x5f: {  	_ =	shalt  }
0x60: {  	_ =	shalt  }
0x61: {  	_ =	shalt  }
0x62: {  	_ =	shalt  }
0x63: {  	_ =	shalt  }
0x64: {  	_ =	shalt  }
0x65: {  	_ =	shalt  }
0x66: {  	_ =	shalt  }
0x67: {  	_ =	shalt  }
0x68: {  	_ =	shalt  }
0x69: {  	_ =	shalt  }
0x6a: {  	_ =	shalt  }
0x6b: {  	_ =	shalt  }
0x6c: {  	_ =	shalt  }
0x6d: {  	_ =	shalt  }
0x6e: {  	_ =	shalt  }
0x6f: {  	_ =	shalt  }
0x70: {  	_ =	shalt  }
0x71: {  	_ =	shalt  }
0x72: {  	_ =	shalt  }
0x73: {  	_ =	shalt  }
0x74: {  	_ =	shalt  }
0x75: {  	_ =	shalt  }
0x76: {  	_ =	shalt  }
0x77: {  	_ =	shalt  }
0x78: {  	_ =	shalt  }
0x79: {  	_ =	shalt  }
0x7a: {  	_ =	shalt  }
0x7b: {  	_ =	shalt  }
0x7c: {  	_ =	shalt  }
0x7d: {  	_ =	shalt  }
0x7e: {  	_ =	shalt  }
0x7f: {  	_ =	shalt  }
0x80: {  	_ =	shalt  }
0x81: {  	_ =	shalt  }
0x82: {  	_ =	shalt  }
0x83: {  	_ =	shalt  }
0x84: {  	_ =	shalt  }
0x85: {  	_ =	shalt  }
0x86: {  	_ =	shalt  }
0x87: {  	_ =	shalt  }
.Lfunc_end0:
.L_simem_size_0:
called_computation.2_lowered:
.L_overlay_start_0:
0x88: {  	s2 =	sld [smem:$0x3FD9]  }
0x89: {  	s3 =	sld [smem:$0x3FFE];
	_ =	sdelay $0x1  }
0x8a: {  	s1 =	srdreg.scid  }
0x8b: {  	s0 =	sand.u32 $0x1, s1  }
0x8c: {  	s17 =	sshll.u32 s0, $0xA;
	s2 =	sadd.s32 s3, s2  }
0x8d: {  	s2 =	sadd.s32 s2, s17  }
0x8e: {  	[smem:$0x3FBF] =	sst s2  }
0x8f: {  	_ = 	snop  }
0x90: {  	s2 =	sld [smem:$0x3FC7];
	(tm) =	ssettm $0x1  }
0x91: {  	s18 =	sld [smem:$0x3FFB];
	_ =	sdelay $0x3  }
0x92: {  	_ =	strace s18  }
0x93: {  	s3 =	sld [smem:$0x3FFC];
	_ =	sdelay $0x3  }
0x94: {  	_ =	strace s3  }
0x95: {  	s3 =	sld [smem:$0x3FFD];
	_ =	sdelay $0x3  }
0x96: {  	_ =	strace s3  }
0x97: {  	_ =	strace $0x8FFFFFFF  }
0x98: {  	s19 =	sld [smem:$0x3FDB];
	_ =	sdelay $0x1  }
0x99: {  	s4 =	simm.s32 $_scs_section_size  }
0x9a: {  	s5 =	simm.s32 $_size__tile_overlayer_lowered;
	s6 =	simm.s32 $_tile_overlayer_lowered  }
0x9b: {  	s22 =	simm.s32 $0x1BFF;
	s21 =	sshll.u32 s6, $0x1;
	s3 =	sadd.s32 s4, s19  }
0x9c: {  	s7 =	simm.s32 $0x0;
	s20 =	sshll.u32 s5, $0x1;
	s5 =	sadd.s32 s21, s3  }
0x9d: {  	[timem:s7], [sflag:s22] =	dma.local [hbm:s5], s20  }
0x9e: {  	_ =	swait.ge [sflag:s22], s20  }
0x9f: {  	s4 =	ssub.s32 $0x0, s20;
	[sflag:s22] =	ssyncset.done $0x0  }
0xa0: {  	[sflag:s22] =	ssyncadd.s32 s4;
	_ =	sdelay $0x1  }
0xa1: {  	s23 =	simm.s32 $0x1B8B  }
0xa2: {  	_ =	swait.ge [sflag:s23], $0x1  }
0xa3: {  	[sflag:s23] =	ssyncset.done $0x0  }
0xa4: {  	s25 =	simm.s32 $0x1B8E;
	s24 =	sld [smem:$0x3FFE];
	[sflag:s23] =	ssyncadd.s32 $0xFFFFFFFF  }
0xa5: {  	s26 =	simm.s32 $execute0_lowered;
	[smem:$0x3FD2] =	sst s25  }
0xa6: {  	s5 =	sshll.u32 s26, $0x1;
	_ =	strace $0x8000004C;
	[dreg:$0x1] =	wrdreg $0xFFFFFFFF  }
0xa7: {  	s28 =	simm.s32 $_size_execute0_lowered;
	s3 =	sadd.s32 s3, s5;
	[dreg:$0x0] =	wrdreg $0x0  }
0xa8: {  	s5 =	sshll.u32 s28, $0x1;
	[dreg:$0x2] =	wrdreg s3  }
0xa9: {  	[dreg:$0x3] =	wrdreg s5  }
0xaa: {  	[dreg:$0x4] =	wrdreg $0xC0  }
0xab: {  	_ =	task [dreg:s7], $0x5FFFF  }
0xac: {  	[dreg:$0x1] =	wrdreg $0xFFFFFFFF  }
0xad: {  	[dreg:$0x0] =	wrdreg $0x60  }
0xae: {  	[dreg:$0x2] =	wrdreg s24  }
0xaf: {  	[dreg:$0x3] =	wrdreg s2  }
0xb0: {  	[dreg:$0x4] =	wrdreg $0x9  }
0xb1: {  	_ =	task.clear_ibuf [dreg:s7], $0x5FFFF;
	_ =	strace $0x9000004C  }
0xb2: {  	s29 =	simm.s32 $0x9;
	_ =	strace $0x8000004E  }
0xb3: {  	_ =	swait.ge [sflag:s29], $0x1  }
0xb4: {  	[sflag:s29] =	ssyncadd.s32 $0xFFFFFFFF  }
0xb5: {  	_ =	strace $0x9000004E  }
0xb6: {  	_ =	sfence  }
0xb7: {  	s30 =	sld [smem:$0x0];
	_ =	sdelay $0x2  }
0xb8: {  	s31 =	sshll.u32 s1, $0xD;
	s1 =	sshrl.u32 s1, $0x2  }
0xb9: {  	s3 =	sand.u32 $0x4000, s31;
	s1 =	sadd.s32 s1, s30  }
0xba: {  	s0 =	sor.u32 s3, s0;
	s1 =	sshll.u32 s1, $0x11  }
0xbb: {  	s0 =	sor.u32 s1, s0  }
0xbc: {  	s0 =	sadd.s32 $0x8F2B, s0  }
0xbd: {  	[sflag:s0] =	ssyncadd.remote.s32 $0x1  }
0xbe: {  	_ =	sfence.sel $0xFFFF  }
0xbf: {  	[dreg:$0x0] =	wrdreg $0xFFFFFFFF;
	(pc) =	sbr.abs _section_cstart, $3  }
0xc0: {  	[dreg:$0x1] =	wrdreg $0xFFFFFFFF  }
0xc1: {  	_ =	task.clear_ibuf [dreg:s7], $0x2FFFF;
	_ =	strace $0x9FFFFFFF  }
0xc2: {  	(tm) =	ssettm $0x7FFFFFFF  }
0xc3: {  	_ =	shalt  }
tec
execute0_lowered:
.L_overlay_start_1:
0x0: {  	(tag) =	ssettag $0x1  }
0x1: {  	s0 =	rddreg [dreg:$0x0]  }
0x2: {  	s2 =	rddreg [dreg:$0x1]  }
0x3: {  	s1 =	srdreg.scid;
	s3 =	simm.s32 $0x0;
	s6 =	stileid.u32  }
0x4: {  	s19 =	simm.s32 $0x2;
	s20 =	simm.s32 $0x2710;
	s21 =	simm.s32 $0x4E20  }
0x5: {  	s22 =	simm.s32 $0x7530;
	s23 =	simm.s32 $0x1;
	s24 =	simm.s32 $0x9C40  }
0x6: {  	s28 =	simm.s32 $0x11170;
	s29 =	simm.s32 $0x0;
	s1 =	sand.u32 $0x1, s1  }
0x7: {  	[smem:$0x7FF] =	sst s3;
	s4 =	sshrl.u32 s6, $0x3;
	s11 =	sadd.s32 $0x1E00, s0  }
0x8: {  	s6 =	sand.u32 $0x7, s6;
	s5 =	sshll.u32 s1, $0x1;
	_ =	strace $0x8000004D  }
0x9: {  	s1 =	ssub.s32 $0x2, s1;
	s10 =	smul.u32 $0x9C40, s6;
	s8 =	sor.u32 s4, s5  }
0xa: {  	s5 =	sadd.s32 $0x15A00, s0;
	s7 =	sshrl.u32 s1, $0x1;
	s0 =	sadd.s32 $0x1F800, s0  }
0xb: {  	s4 =	smul.u32 $0x13880, s8;
	s1 =	ssub.s32 s1, s7;
	s13 =	sadd.s32 $0x2710, s10  }
0xc: {  	s9 =	sshrl.u32 s10, $0x3;
	s14 =	smul.u32 $0x4E200, s8;
	s15 =	sadd.s32 $0x4E20, s10  }
0xd: {  	s16 =	sadd.s32 $0x7530, s10;
	s12 =	sshrl.u32 s13, $0x3;
	s8 =	sadd.s32 s11, s9  }
0xe: {  	s30 =	sshrl.u32 s15, $0x3;
	s31 =	sshrl.u32 s16, $0x3;
	s25 =	sshrl.u32 s4, $0x3  }
0xf: {  	s9 =	sadd.s32 s11, s12;
	s17 =	sadd.s32 s10, s14;
	s10 =	sadd.s32 s11, s30  }
0x10: {  	s11 =	sadd.s32 s11, s31;
	s13 =	sadd.s32 s13, s14;
	s15 =	sadd.s32 s15, s14  }
0x11: {  	s14 =	sadd.s32 s16, s14;
	s26 =	sadd.s32 s5, s25;
	s7 =	sadd.s32 s2, s25  }
0x12: {  	s17 =	sshrl.u32 s17, $0x3;
	s13 =	sshrl.u32 s13, $0x3;
	s15 =	sshrl.u32 s15, $0x3  }
0x13: {  	s16 =	sshrl.u32 s14, $0x3;
	s25 =	simm.s32 $0xC350;
	[dreg:$0x3] =	wrdreg s26  }
0x14: {  	s12 =	sadd.s32 s0, s17;
	s13 =	sadd.s32 s0, s13;
	s14 =	sadd.s32 s0, s15  }
0x15: {  	v0 =	vimm.f32 $0.0e+00;
	s15 =	sadd.s32 s0, s16;
	s16 =	smax.u32 s1, $0x1;
	s26 =	simm.s32 $0xEA60  }
.LBB2_1:
0x16: {  	s0 =	rddreg [dreg:$0x3];
	s1 =	simm.s32 $0x13880  }
0x17: {  	[tilespmem:s1], [sflag:$0x1] =	stream.linear.gather [hbm4b:s0+s3], $0x7D0, $0x38;
	[tilespmem:$0x157C0] =	vst v63  }
0x18: {  	s31 =	simm.s32 $0x14820  }
0x19: {  	[tilespmem:s31], [sflag:$0x1] =	stream.linear.gather [hbm4b:s7+s3], $0x7D0, $0x38;
	[tilespmem:$0x157C0] =	vst v63  }
0x1a: {  	_ = 	snop  }
0x1b: {  	[tilespmem:s3], [sflag:$0x2] =	stream.linear.gather [hbm4b:s8+s3], $0x2710, $0x38;
	[tilespmem:$0x157C0] =	vst v63  }
0x1c: {  	_ =	swait.ge [sflag:s19], $0x2710  }
0x1d: {  	[sflag:s19] =	ssyncset.done $0x0  }
0x1e: {  	[sflag:s19] =	ssyncadd.s32 $0xFFFFD8F0  }
0x1f: {  	[tilespmem:s20], [sflag:$0x2] =	stream.linear.gather [hbm4b:s9+s3], $0x2710, $0x38;
	[tilespmem:$0x157C0] =	vst v63  }
0x20: {  	_ =	swait.ge [sflag:s19], $0x2710  }
0x21: {  	[sflag:s19] =	ssyncset.done $0x0  }
0x22: {  	[sflag:s19] =	ssyncadd.s32 $0xFFFFD8F0  }
0x23: {  	[tilespmem:s21], [sflag:$0x2] =	stream.linear.gather [hbm4b:s10+s3], $0x2710, $0x38;
	[tilespmem:$0x157C0] =	vst v63  }
0x24: {  	_ =	swait.ge [sflag:s19], $0x2710  }
0x25: {  	[sflag:s19] =	ssyncset.done $0x0  }
0x26: {  	[sflag:s19] =	ssyncadd.s32 $0xFFFFD8F0  }
0x27: {  	[tilespmem:s22], [sflag:$0x2] =	stream.linear.gather [hbm4b:s11+s3], $0x2710, $0x38;
	[tilespmem:$0x157C0] =	vst v63  }
0x28: {  	_ =	swait.ge [sflag:s19], $0x2710  }
0x29: {  	[sflag:s19] =	ssyncset.done $0x0  }
0x2a: {  	s0 =	simm.s32 $0x0;
	[sflag:s19] =	ssyncadd.s32 $0xFFFFD8F0  }
.LBB2_2:
0x2b: {  	p0 =	seq.s32 s0, $0x9C00  }
.Ltmp0:
0x2c: {  	s1 =	sshra.s32 s0, $0x2;
	(pc) =	sbr.rel @!p0 .LBB2_2-.Ltmp0, $4  }
0x2d: {  	[tilespmem:s1+$0x9C40] =	vst v0  }
0x2e: {  	[tilespmem:s1+$0xC350] =	vst v0  }
0x2f: {  	[tilespmem:s1+$0xEA60] =	vst v0  }
0x30: {  	s0 =	sadd.s32 $0x40, s0;
	[tilespmem:s1+$0x11170] =	vst v0  }
0x31: {  	s30 =	simm.s32 $0x0  }
.LBB2_5:
0x32: {  	s0 =	smov.u32 s30;
	_ =	swait.ge [sflag:s23], $0x7D0;
	s30 =	sadd.s32 $0x1, s30  }
0x33: {  	p0 =	seq.s32 s0, $0x27;
	[sflag:s23] =	ssyncset.done $0x0;
	s0 =	sand.u32 $0x1, s0  }
0x34: {  	s1 =	sand.u32 @!p0 $0x1, s30;
	[sflag:s23] =	ssyncadd.s32 $0xFFFFF830;
	s31 =	smul.u32 @!p0 $0x7D0, s30  }
0x35: {  	s6 =	simm.s32 @!p0 $0x0;
	p1 =	seq.s32 @!p0 s1, $0x1;
	_ =	swait.ge [sflag:s23], $0x7D0  }
0x36: {  	s1 =	simm.s32 @!p0 $0x7D0;
	p1 =	por !p1, p0;
	[sflag:s23] =	ssyncset.done $0x0  }
0x37: {  	s1 =	simm.s32 @p1 $0x0;
	p1 =	seq.s32 s0, $0x1;
	s0 =	sadd.s32 @!p0 s4, s31  }
0x38: {  	s31 =	simm.s32 $0x7D0;
	[sflag:s23] =	ssyncadd.s32 $0xFFFFF830;
	s0 =	sshrl.u32 @!p0 s0, $0x3  }
0x39: {  	s17 =	sadd.s32 @!p0 $0x13880, s1;
	s31 =	simm.s32 @!p1 $0x0;
	s18 =	sadd.s32 @!p0 s5, s0  }
0x3a: {  	[tilespmem:s17], [sflag:$0x1] =	stream.linear.gather @!p0 [hbm4b:s18+s6], $0x7D0, $0x38;
	[tilespmem:$0x157C0] =	vst v63  }
0x3b: {  	s1 =	sor.u32 @!p0 $0x14820, s1;
	s0 =	sadd.s32 @!p0 s2, s0;
	s18 =	sadd.s32 $0x138A0, s31  }
0x3c: {  	[tilespmem:s1], [sflag:$0x1] =	stream.linear.gather @!p0 [hbm4b:s0+s6], $0x7D0, $0x38;
	[tilespmem:$0x157C0] =	vst v63  }
0x3d: {  	v3 =	vld [tilespmem:s18+$0x20]  }
0x3e: {  	v4 =	vld [tilespmem:s18+$0xFFFFFFE0];
	_ =	sdelay $0x2  }
0x3f: {  	v5 =	vld [tilespmem:s18+$0xFFFFFFF0]  }
0x40: {  	v6 =	vld [tilespmem:s18+$0x0];
	v11 =	vand.u32 $0xFFFF, v3  }
0x41: {  	v12 =	vld [tilespmem:s18+$0x10];
	v14 =	vand.u32 $0xFFFF, v4  }
0x42: {  	s31 =	sadd.s32 $0x14840, s31  }
0x43: {  	v15 =	vld [tilespmem:s31+$0x20]  }
0x44: {  	v10 =	vld [tilespmem:s31+$0xFFFFFFE0];
	v13 =	vand.u32 $0xFFFF, v5  }
0x45: {  	v1 =	vand.u32 $0xFFFF, v6;
	v7 =	vld.idx.msk [tilespmem:v11+s3+$0x0], $0xffff  }
0x46: {  	v2 =	vand.u32 $0xFFFF, v12;
	v19 =	vld.idx.msk [tilespmem:v14+s3+$0x0], $0xffff  }
0x47: {  	v9 =	vld [tilespmem:s31+$0xFFFFFFF0];
	v18 =	vshrl.u32 v3, $0x10  }
0x48: {  	v8 =	vld [tilespmem:s31+$0x0];
	v4 =	vshrl.u32 v4, $0x10  }
0x49: {  	v16 =	vld.idx.msk [tilespmem:v13+s3+$0x0], $0xffff  }
0x4a: {  	v17 =	vld.idx.msk [tilespmem:v1+s3+$0x0], $0xffff;
	v7 =	vmul.f32 v7, v15  }
0x4b: {  	v3 =	vshrl.u32 v5, $0x10;
	v20 =	vld.idx.msk [tilespmem:v2+s3+$0x0], $0xffff;
	v5 =	vmul.f32 v19, v10  }
0x4c: {  	[tilespmem:v18+s24+$0x0] =	vst.idx.add.f32.msk $0xffff, v7  }
0x4d: {  	[tilespmem:v4+s24+$0x0] =	vst.idx.add.f32.msk $0xffff, v5  }
0x4e: {  	v16 =	vmul.f32 v16, v9;
	v5 =	vshrl.u32 v6, $0x10;
	v21 =	vld.idx.msk [tilespmem:v11+s20+$0x0], $0xffff  }
0x4f: {  	v7 =	vld [tilespmem:s31+$0x10]  }
0x50: {  	[tilespmem:v3+s24+$0x0] =	vst.idx.add.f32.msk $0xffff, v16  }
0x51: {  	v17 =	vmul.f32 v17, v8;
	v6 =	vshrl.u32 v12, $0x10;
	v12 =	vld.idx.msk [tilespmem:v14+s20+$0x0], $0xffff  }
0x52: {  	v55 =	vld.idx.msk [tilespmem:v13+s20+$0x0], $0xffff  }
0x53: {  	[tilespmem:v5+s24+$0x0] =	vst.idx.add.f32.msk $0xffff, v17;
	v54 =	vmul.f32 v21, v15  }
0x54: {  	v58 =	vld.idx.msk [tilespmem:v1+s20+$0x0], $0xffff  }
0x55: {  	v56 =	vmul.f32 v20, v7;
	[tilespmem:v18+s25+$0x0] =	vst.idx.add.f32.msk $0xffff, v54  }
0x56: {  	v57 =	vld.idx.msk [tilespmem:v11+s21+$0x0], $0xffff  }
0x57: {  	v12 =	vmul.f32 v12, v10;
	[tilespmem:v6+s24+$0x0] =	vst.idx.add.f32.msk $0xffff, v56  }
0x58: {  	v59 =	vmul.f32 v55, v9;
	v60 =	vld.idx.msk [tilespmem:v2+s20+$0x0], $0xffff  }
0x59: {  	[tilespmem:v4+s25+$0x0] =	vst.idx.add.f32.msk $0xffff, v12  }
0x5a: {  	[tilespmem:v3+s25+$0x0] =	vst.idx.add.f32.msk $0xffff, v59  }
0x5b: {  	v61 =	vld.idx.msk [tilespmem:v14+s21+$0x0], $0xffff;
	v12 =	vmul.f32 v57, v15  }
0x5c: {  	v62 =	vld.idx.msk [tilespmem:v13+s21+$0x0], $0xffff  }
0x5d: {  	v19 =	vmul.f32 v60, v7;
	[tilespmem:v18+s26+$0x0] =	vst.idx.add.f32.msk $0xffff, v12  }
0x5e: {  	v12 =	vmul.f32 v58, v8;
	v11 =	vld.idx.msk [tilespmem:v11+s22+$0x0], $0xffff  }
0x5f: {  	[tilespmem:v6+s25+$0x0] =	vst.idx.add.f32.msk $0xffff, v19  }
0x60: {  	[tilespmem:v5+s25+$0x0] =	vst.idx.add.f32.msk $0xffff, v12  }
0x61: {  	v12 =	vmul.f32 v61, v10;
	v63 =	vld.idx.msk [tilespmem:v1+s21+$0x0], $0xffff  }
0x62: {  	v19 =	vld.idx.msk [tilespmem:v2+s21+$0x0], $0xffff  }
0x63: {  	[tilespmem:v4+s26+$0x0] =	vst.idx.add.f32.msk $0xffff, v12;
	v12 =	vmul.f32 v11, v15  }
0x64: {  	v11 =	vld.idx.msk [tilespmem:v14+s22+$0x0], $0xffff;
	v14 =	vmul.f32 v62, v9  }
0x65: {  	[tilespmem:v18+s28+$0x0] =	vst.idx.add.f32.msk $0xffff, v12  }
0x66: {  	[tilespmem:v3+s26+$0x0] =	vst.idx.add.f32.msk $0xffff, v14;
	v14 =	vmul.f32 v63, v8  }
0x67: {  	v12 =	vld.idx.msk [tilespmem:v13+s22+$0x0], $0xffff  }
0x68: {  	s0 =	simm.s32 $0x0;
	s1 =	sadd.s32 $0x50, s18;
	v13 =	vmul.f32 v19, v7;
	[tilespmem:v5+s26+$0x0] =	vst.idx.add.f32.msk $0xffff, v14  }
.LBB2_6:
0x69: {  	v14 =	vld [tilespmem:s1+$0x20];
	s0 =	sadd.s32 $0x5, s0;
	v10 =	vmul.f32 v11, v10  }
0x6a: {  	v11 =	vld [tilespmem:s1+$0xFFFFFFF0];
	p0 =	slt.u32 s0, $0x78  }
0x6b: {  	v15 =	vld [tilespmem:s1+$0x0]  }
0x6c: {  	v9 =	vmul.f32 v12, v9;
	v16 =	vld [tilespmem:s1+$0x10]  }
0x6d: {  	v12 =	vld [tilespmem:s1+$0xFFFFFFE0]  }
0x6e: {  	v17 =	vand.u32 $0xFFFF, v14;
	[tilespmem:v6+s26+$0x0] =	vst.idx.add.f32.msk $0xffff, v13  }
0x6f: {  	v13 =	vshrl.u32 v11, $0x10;
	v18 =	vand.u32 $0xFFFF, v11;
	v11 =	vld.idx.msk [tilespmem:v1+s22+$0x0], $0xffff  }
0x70: {  	v19 =	vshrl.u32 v15, $0x10;
	v1 =	vand.u32 $0xFFFF, v15;
	v15 =	vld.idx.msk [tilespmem:v2+s22+$0x0], $0xffff  }
0x71: {  	v20 =	vshrl.u32 v16, $0x10;
	v2 =	vand.u32 $0xFFFF, v16;
	[tilespmem:v4+s28+$0x0] =	vst.idx.add.f32.msk $0xffff, v10  }
0x72: {  	v4 =	vshrl.u32 v12, $0x10;
	v12 =	vand.u32 $0xFFFF, v12;
	[tilespmem:v3+s28+$0x0] =	vst.idx.add.f32.msk $0xffff, v9;
	v3 =	vmov v13  }
0x73: {  	s31 =	sadd.s32 $0x50, s31;
	v9 =	vld.idx.msk [tilespmem:v17+s3+$0x0], $0xffff  }
0x74: {  	v13 =	vld [tilespmem:s31+$0x20]  }
0x75: {  	v11 =	vmul.f32 v11, v8;
	v16 =	vld.idx.msk [tilespmem:v18+s3+$0x0], $0xffff  }
0x76: {  	v14 =	vshrl.u32 v14, $0x10;
	v15 =	vmul.f32 v15, v7;
	v21 =	vld.idx.msk [tilespmem:v1+s3+$0x0], $0xffff  }
0x77: {  	v7 =	vld.idx.msk [tilespmem:v12+s3+$0x0], $0xffff  }
0x78: {  	v22 =	vld.idx.msk [tilespmem:v2+s3+$0x0], $0xffff  }
0x79: {  	v10 =	vld [tilespmem:s31+$0xFFFFFFE0];
	v8 =	vmul.f32 v9, v13  }
0x7a: {  	v9 =	vld [tilespmem:s31+$0xFFFFFFF0]  }
0x7b: {  	[tilespmem:v14+s24+$0x0] =	vst.idx.add.f32.msk $0xffff, v8  }
0x7c: {  	v23 =	vld.idx.msk [tilespmem:v17+s20+$0x0], $0xffff  }
0x7d: {  	v8 =	vld [tilespmem:s31+$0x0]  }
0x7e: {  	v24 =	vmul.f32 v7, v10;
	v7 =	vld [tilespmem:s31+$0x10]  }
0x7f: {  	v16 =	vmul.f32 v16, v9;
	[tilespmem:v5+s28+$0x0] =	vst.idx.add.f32.msk $0xffff, v11;
	v5 =	vmov v19  }
0x80: {  	[tilespmem:v4+s24+$0x0] =	vst.idx.add.f32.msk $0xffff, v24  }
0x81: {  	[tilespmem:v3+s24+$0x0] =	vst.idx.add.f32.msk $0xffff, v16  }
0x82: {  	v19 =	vmul.f32 v23, v13;
	v11 =	vld.idx.msk [tilespmem:v12+s20+$0x0], $0xffff;
	v16 =	vmul.f32 v21, v8  }
0x83: {  	v21 =	vld.idx.msk [tilespmem:v18+s20+$0x0], $0xffff;
	v22 =	vmul.f32 v22, v7  }
0x84: {  	[tilespmem:v14+s25+$0x0] =	vst.idx.add.f32.msk $0xffff, v19  }
0x85: {  	v19 =	vld.idx.msk [tilespmem:v17+s21+$0x0], $0xffff  }
0x86: {  	[tilespmem:v5+s24+$0x0] =	vst.idx.add.f32.msk $0xffff, v16  }
0x87: {  	[tilespmem:v20+s24+$0x0] =	vst.idx.add.f32.msk $0xffff, v22  }
0x88: {  	v11 =	vmul.f32 v11, v10;
	v16 =	vld.idx.msk [tilespmem:v1+s20+$0x0], $0xffff  }
0x89: {  	v21 =	vmul.f32 v21, v9;
	v22 =	vld.idx.msk [tilespmem:v2+s20+$0x0], $0xffff  }
0x8a: {  	[tilespmem:v4+s25+$0x0] =	vst.idx.add.f32.msk $0xffff, v11  }
0x8b: {  	v11 =	vmul.f32 v19, v13;
	[tilespmem:v3+s25+$0x0] =	vst.idx.add.f32.msk $0xffff, v21  }
0x8c: {  	v19 =	vld.idx.msk [tilespmem:v12+s21+$0x0], $0xffff  }
0x8d: {  	[tilespmem:v14+s26+$0x0] =	vst.idx.add.f32.msk $0xffff, v11  }
0x8e: {  	v11 =	vmul.f32 v16, v8;
	v16 =	vld.idx.msk [tilespmem:v17+s22+$0x0], $0xffff  }
0x8f: {  	v21 =	vmul.f32 v22, v7;
	v17 =	vld.idx.msk [tilespmem:v18+s21+$0x0], $0xffff  }
0x90: {  	[tilespmem:v5+s25+$0x0] =	vst.idx.add.f32.msk $0xffff, v11  }
0x91: {  	[tilespmem:v20+s25+$0x0] =	vst.idx.add.f32.msk $0xffff, v21  }
0x92: {  	v11 =	vmul.f32 v19, v10;
	v19 =	vld.idx.msk [tilespmem:v1+s21+$0x0], $0xffff  }
0x93: {  	v21 =	vld.idx.msk [tilespmem:v2+s21+$0x0], $0xffff  }
0x94: {  	v13 =	vmul.f32 v16, v13;
	[tilespmem:v4+s26+$0x0] =	vst.idx.add.f32.msk $0xffff, v11  }
0x95: {  	v11 =	vld.idx.msk [tilespmem:v12+s22+$0x0], $0xffff;
	v12 =	vmul.f32 v17, v9  }
.Ltmp1:
0x96: {  	[tilespmem:v14+s28+$0x0] =	vst.idx.add.f32.msk $0xffff, v13;
	(pc) =	sbr.rel @p0 .LBB2_6-.Ltmp1, $4  }
0x97: {  	[tilespmem:v3+s26+$0x0] =	vst.idx.add.f32.msk $0xffff, v12  }
0x98: {  	v14 =	vmul.f32 v19, v8;
	v12 =	vld.idx.msk [tilespmem:v18+s22+$0x0], $0xffff  }
0x99: {  	v13 =	vmul.f32 v21, v7;
	[tilespmem:v6+s28+$0x0] =	vst.idx.add.f32.msk $0xffff, v15;
	v6 =	vmov v20  }
0x9a: {  	s1 =	sadd.s32 $0x50, s1;
	[tilespmem:v5+s26+$0x0] =	vst.idx.add.f32.msk $0xffff, v14  }
0x9b: {  	_ =	sdelay $0x3  }
0x9c: {  	[tilespmem:v6+s26+$0x0] =	vst.idx.add.f32.msk $0xffff, v13  }
0x9d: {  	v1 =	vld.idx.msk [tilespmem:v1+s22+$0x0], $0xffff  }
0x9e: {  	v2 =	vld.idx.msk [tilespmem:v2+s22+$0x0], $0xffff;
	_ =	sdelay $0x1  }
0x9f: {  	v10 =	vmul.f32 v11, v10  }
0xa0: {  	v9 =	vmul.f32 v12, v9  }
0xa1: {  	[tilespmem:v4+s28+$0x0] =	vst.idx.add.f32.msk $0xffff, v10;
	v1 =	vmul.f32 v1, v8  }
0xa2: {  	[tilespmem:v3+s28+$0x0] =	vst.idx.add.f32.msk $0xffff, v9;
	v2 =	vmul.f32 v2, v7  }
0xa3: {  	[tilespmem:v5+s28+$0x0] =	vst.idx.add.f32.msk $0xffff, v1  }
0xa4: {  	[tilespmem:v6+s28+$0x0] =	vst.idx.add.f32.msk $0xffff, v2  }
0xa5: {  	p0 =	seq.s32 s30, $0x28  }
.Ltmp2:
0xa6: {  	_ = 	snop;
	(pc) =	sbr.rel @!p0 .LBB2_5-.Ltmp2, $1  }
0xa7: {  	_ =	sdelay $0x3  }
0xa8: {  	[hbm4b:s12+s3] =	stream.linear.scatter [tilespmem:s24], [sflag:$0x2], $0x2710, $0x38;
	[tilespmem:$0x157C0] =	vst v63  }
0xa9: {  	_ =	swait.ge [sflag:s19], $0x2710  }
0xaa: {  	[sflag:s19] =	ssyncset.done $0x0  }
0xab: {  	[sflag:s19] =	ssyncadd.s32 $0xFFFFD8F0  }
0xac: {  	[hbm4b:s13+s3] =	stream.linear.scatter [tilespmem:s25], [sflag:$0x2], $0x2710, $0x38;
	[tilespmem:$0x157C0] =	vst v63  }
0xad: {  	_ =	swait.ge [sflag:s19], $0x2710  }
0xae: {  	[sflag:s19] =	ssyncset.done $0x0  }
0xaf: {  	[sflag:s19] =	ssyncadd.s32 $0xFFFFD8F0  }
0xb0: {  	[hbm4b:s14+s3] =	stream.linear.scatter [tilespmem:s26], [sflag:$0x2], $0x2710, $0x38;
	[tilespmem:$0x157C0] =	vst v63  }
0xb1: {  	s29 =	sadd.s32 $0x1, s29;
	_ =	swait.ge [sflag:s19], $0x2710  }
0xb2: {  	p0 =	sne.s32 s29, s16;
	[sflag:s19] =	ssyncset.done $0x0  }
.Ltmp3:
0xb3: {  	[sflag:s19] =	ssyncadd.s32 $0xFFFFD8F0;
	(pc) =	sbr.rel @p0 .LBB2_1-.Ltmp3, $4  }
0xb4: {  	[hbm4b:s15+s3] =	stream.linear.scatter [tilespmem:s28], [sflag:$0x2], $0x2710, $0x38;
	[tilespmem:$0x157C0] =	vst v63  }
0xb5: {  	_ =	swait.ge [sflag:s19], $0x2710  }
0xb6: {  	[sflag:s19] =	ssyncset.done $0x0  }
0xb7: {  	[sflag:s19] =	ssyncadd.s32 $0xFFFFD8F0  }
0xb8: {  	_ =	sfence.sel $0x180000  }
0xb9: {  	[bflag:$0x0] =	sbarrier.arrive $0xFFFF  }
0xba: {  	_ =	strace $0x9000004D  }
0xbb: {  	s0 =	stileid.u32;
	[bflag:$0x2] =	sbarrier.arrive $0xFFFF  }
0xbc: {  	p0 =	sne.s32 s0, $0x0;
	s0 =	rddreg [dreg:$0x2]  }
0xbd: {  	s0 =	sadd.s32 @!p0 $0x100000, s0  }
0xbe: {  	[sflag:s0] =	ssyncadd.tile.s32 @!p0 $0x1;
	_ =	shalt  }
.Lfunc_end2:
_tile_overlayer_lowered:
.L_overlay_start_2:
0xbf: {  	(tag) =	ssettag $0x2  }
0xc0: {  	s0 =	rddreg [dreg:$0x0];
	s2 =	stileid.u32  }
0xc1: {  	s1 =	rddreg [dreg:$0x1];
	p0 =	sne.s32 s2, $0x0  }
0xc2: {  	s3 =	rddreg [dreg:$0x2];
	[bflag:$0x3] =	sbarrier.arrive $0xFFFF;
	s2 =	simm.s32 @!p0 $0x1C02  }
0xc3: {  	[timem:s3], [sflag:s2] =	dma.local @!p0 [hbm:s0], s1  }
0xc4: {  	s0 =	simm.s32 @!p0 $0x2  }
0xc5: {  	_ =	swait.ge @!p0 [sflag:s0], s1  }
0xc6: {  	s1 =	ssub.s32 @!p0 $0x0, s1;
	[sflag:s0] =	ssyncset.done @!p0 $0x0  }
0xc7: {  	[sflag:s0] =	ssyncadd.s32 @!p0 s1  }
0xc8: {  	[bflag:$0x3] =	sbarrier.arrive $0xFFFF  }
0xc9: {  	_ =	shalt  }

// kernel: kernel.9.cloned.1.call-start
scs
__scs_entry_jumppad:
0x0: {  	(pc) =	sbr.rel $0x88, $3  }
0x1: {  	(tag) =	ssettag $0x0;
	lr =	simm.s32 $0x1  }
0x2: {  	[smem:$0x3F98] =	sst lr;
	_ =	strace $0xD0000000  }
0x3: {  	_ = 	snop  }
0x4: {  	_ = 	snop  }
0x5: {  	_ = 	snop  }
0x6: {  	_ = 	snop  }
0x7: {  	_ = 	snop  }
__scs_overlays_trampoline_lowered:
0x8: {  	[smem:$0x3FA7] =	sst s0  }
0x9: {  	[smem:$0x3FA8] =	sst s1  }
0xa: {  	[smem:$0x3FA9] =	sst s2  }
0xb: {  	[smem:$0x3FAA] =	sst s3  }
0xc: {  	[smem:$0x3FAB] =	sst s4  }
0xd: {  	[smem:$0x3FAC] =	sst s5  }
0xe: {  	[smem:$0x3FAD] =	sst s6  }
0xf: {  	[smem:$0x3FAE] =	sst s7  }
0x10: {  	[smem:$0x3FAF] =	sst s8  }
0x11: {  	[smem:$0x3FB0] =	sst s9;
	s0 =	simm.s32 @!p0 $0x0  }
0x12: {  	s1 =	sld [smem:$0x3F96];
	s0 =	simm.s32 @p0 $0x1  }
0x13: {  	[smem:$0x3FB1] =	sst s0;
	s0 =	simm.s32 @!p1 $0x0  }
0x14: {  	s2 =	sld [smem:$0x3F95];
	s0 =	simm.s32 @p1 $0x1  }
0x15: {  	[smem:$0x3FB2] =	sst s0;
	s0 =	simm.s32 @!p2 $0x0  }
0x16: {  	s3 =	sld [smem:$0x3FDB];
	s0 =	simm.s32 @p2 $0x1  }
0x17: {  	s4 =	simm.s32 $0x1BF5;
	[smem:$0x3FB4] =	sst s0  }
0x18: {  	s0 =	sld [smem:$0x3F97];
	_ =	swait.ge [sflag:s4], $0x0  }
0x19: {  	s7 =	sld [smem:$0x3F98]  }
0x1a: {  	s8 =	sadd.s32 $0xFFFFE003, lr  }
0x1b: {  	s9 =	sadd.s32 $0xFFFFFEF7, lr;
	s5 =	simm.s32 $0xFFFFFFFF;
	p2 =	slt.u32 s8, $0xFFFFF086  }
0x1c: {  	p1 =	slt.u32 s9, $0xF7A;
	s5 =	simm.s32 @!p2 $0x0  }
0x1d: {  	s5 =	simm.s32 @p1 $0x1;
	p0 =	seq.s32 s7, s2  }
0x1e: {  	s7 =	smul.u32 @!p0 $0xF7A, s2;
	p2 =	seq.s32 @!p0 s5, $0x0  }
0x1f: {  	s9 =	smul.u32 $0xF7A, s1;
	s8 =	simm.s32 @!p0 $0x1BF5;
	p2 =	por !p2, p0  }
0x20: {  	[sflag:s8] =	ssyncset.s32 @!p0 $0xFFFFF086;
	s6 =	sadd.s32 @!p0 s3, s7;
	s7 =	simm.s32 @!p0 $0x108  }
0x21: {  	s3 =	sadd.s32 s3, s9;
	s6 =	sadd.s32 @!p0 $0x88, s6;
	s7 =	simm.s32 @p2 $0x1082  }
0x22: {  	[simem:s7], [sflag:s8] =	dma.local @!p0 [hbm:s6], $0xF7A  }
0x23: {  	s9 =	sor.u32 $0xD0000000, s2;
	s6 =	simm.s32 $0x108;
	_ =	swait.ge @!p0 [sflag:s8], $0x0  }
0x24: {  	s3 =	sadd.s32 $0x88, s3;
	s6 =	simm.s32 @!p1 $0x1082;
	[sflag:s4] =	ssyncset.s32 $0xFFFFF086  }
0x25: {  	[simem:s6], [sflag:s4] =	dma.local [hbm:s3], $0xF7A  }
0x26: {  	[smem:$0x3F98] =	sst s1;
	(tag) =	ssettag s2;
	_ =	strace s9  }
0x27: {  	s1 =	sld [smem:$0x3FA8]  }
0x28: {  	s2 =	sld [smem:$0x3FA9]  }
0x29: {  	s4 =	sld [smem:$0x3FAB]  }
0x2a: {  	p0 =	seq.s32 s5, $0x0;
	s5 =	sld [smem:$0x3FAC]  }
0x2b: {  	s6 =	sld [smem:$0x3FAD]  }
0x2c: {  	s7 =	sld [smem:$0x3FAE]  }
0x2d: {  	s3 =	simm.s32 $0x108;
	s8 =	sld [smem:$0x3FAF]  }
0x2e: {  	s3 =	simm.s32 @!p0 $0x1082;
	s9 =	sld [smem:$0x3FB0]  }
0x2f: {  	lr =	sadd.s32 s0, s3;
	s0 =	sld [smem:$0x3FA7]  }
0x30: {  	s3 =	sld [smem:$0x3FAA]  }
0x31: {  	[smem:$0x3FB3] =	sst s10  }
0x32: {  	s10 =	sld [smem:$0x3FB1];
	_ =	sdelay $0x3  }
0x33: {  	p0 =	seq.s32 s10, $0x1;
	s10 =	sld [smem:$0x3FB3];
	_ =	sdelay $0x3  }
0x34: {  	[smem:$0x3FB3] =	sst s10  }
0x35: {  	s10 =	sld [smem:$0x3FB2];
	_ =	sdelay $0x3  }
0x36: {  	p1 =	seq.s32 s10, $0x1;
	s10 =	sld [smem:$0x3FB3];
	_ =	sdelay $0x3  }
0x37: {  	[smem:$0x3FB3] =	sst s10  }
0x38: {  	s10 =	sld [smem:$0x3FB4]  }
0x39: {  	_ = 	snop;
	(pc) =	sbr.ind lr, $3  }
0x3a: {  	_ = 	snop  }
0x3b: {  	_ = 	snop  }
0x3c: {  	p2 =	seq.s32 s10, $0x1;
	s10 =	sld [smem:$0x3FB3]  }
0x3d: {  	_ =	shalt  }
0x3e: {  	_ =	shalt  }
0x3f: {  	_ =	shalt  }
0x40: {  	_ =	shalt  }
0x41: {  	_ =	shalt  }
0x42: {  	_ =	shalt  }
0x43: {  	_ =	shalt  }
0x44: {  	_ =	shalt  }
0x45: {  	_ =	shalt  }
0x46: {  	_ =	shalt  }
0x47: {  	_ =	shalt  }
0x48: {  	_ =	shalt  }
0x49: {  	_ =	shalt  }
0x4a: {  	_ =	shalt  }
0x4b: {  	_ =	shalt  }
0x4c: {  	_ =	shalt  }
0x4d: {  	_ =	shalt  }
0x4e: {  	_ =	shalt  }
0x4f: {  	_ =	shalt  }
0x50: {  	_ =	shalt  }
0x51: {  	_ =	shalt  }
0x52: {  	_ =	shalt  }
0x53: {  	_ =	shalt  }
0x54: {  	_ =	shalt  }
0x55: {  	_ =	shalt  }
0x56: {  	_ =	shalt  }
0x57: {  	_ =	shalt  }
0x58: {  	_ =	shalt  }
0x59: {  	_ =	shalt  }
0x5a: {  	_ =	shalt  }
0x5b: {  	_ =	shalt  }
0x5c: {  	_ =	shalt  }
0x5d: {  	_ =	shalt  }
0x5e: {  	_ =	shalt  }
0x5f: {  	_ =	shalt  }
0x60: {  	_ =	shalt  }
0x61: {  	_ =	shalt  }
0x62: {  	_ =	shalt  }
0x63: {  	_ =	shalt  }
0x64: {  	_ =	shalt  }
0x65: {  	_ =	shalt  }
0x66: {  	_ =	shalt  }
0x67: {  	_ =	shalt  }
0x68: {  	_ =	shalt  }
0x69: {  	_ =	shalt  }
0x6a: {  	_ =	shalt  }
0x6b: {  	_ =	shalt  }
0x6c: {  	_ =	shalt  }
0x6d: {  	_ =	shalt  }
0x6e: {  	_ =	shalt  }
0x6f: {  	_ =	shalt  }
0x70: {  	_ =	shalt  }
0x71: {  	_ =	shalt  }
0x72: {  	_ =	shalt  }
0x73: {  	_ =	shalt  }
0x74: {  	_ =	shalt  }
0x75: {  	_ =	shalt  }
0x76: {  	_ =	shalt  }
0x77: {  	_ =	shalt  }
0x78: {  	_ =	shalt  }
0x79: {  	_ =	shalt  }
0x7a: {  	_ =	shalt  }
0x7b: {  	_ =	shalt  }
0x7c: {  	_ =	shalt  }
0x7d: {  	_ =	shalt  }
0x7e: {  	_ =	shalt  }
0x7f: {  	_ =	shalt  }
0x80: {  	_ =	shalt  }
0x81: {  	_ =	shalt  }
0x82: {  	_ =	shalt  }
0x83: {  	_ =	shalt  }
0x84: {  	_ =	shalt  }
0x85: {  	_ =	shalt  }
0x86: {  	_ =	shalt  }
0x87: {  	_ =	shalt  }
.Lfunc_end0:
.L_simem_size_0:
called_computation_lowered:
.L_overlay_start_0:
0x88: {  	s2 =	sld [smem:$0x3FD9]  }
0x89: {  	s3 =	sld [smem:$0x3FFE];
	_ =	sdelay $0x1  }
0x8a: {  	s1 =	srdreg.scid  }
0x8b: {  	s0 =	sand.u32 $0x1, s1  }
0x8c: {  	s17 =	sshll.u32 s0, $0xA;
	s2 =	sadd.s32 s3, s2  }
0x8d: {  	s2 =	sadd.s32 s2, s17  }
0x8e: {  	[smem:$0x3FBF] =	sst s2  }
0x8f: {  	_ = 	snop  }
0x90: {  	s2 =	sld [smem:$0x3FC7];
	(tm) =	ssettm $0x1  }
0x91: {  	s18 =	sld [smem:$0x3FFB];
	_ =	sdelay $0x3  }
0x92: {  	_ =	strace s18  }
0x93: {  	s3 =	sld [smem:$0x3FFC];
	_ =	sdelay $0x3  }
0x94: {  	_ =	strace s3  }
0x95: {  	s3 =	sld [smem:$0x3FFD];
	_ =	sdelay $0x3  }
0x96: {  	_ =	strace s3  }
0x97: {  	_ =	strace $0x8FFFFFFF  }
0x98: {  	s19 =	sld [smem:$0x3FDB];
	_ =	sdelay $0x1  }
0x99: {  	s4 =	simm.s32 $_scs_section_size  }
0x9a: {  	s5 =	simm.s32 $_size__tile_overlayer_lowered;
	s6 =	simm.s32 $_tile_overlayer_lowered  }
0x9b: {  	s22 =	simm.s32 $0x1BFF;
	s21 =	sshll.u32 s6, $0x1;
	s3 =	sadd.s32 s4, s19  }
0x9c: {  	s7 =	simm.s32 $0x0;
	s20 =	sshll.u32 s5, $0x1;
	s5 =	sadd.s32 s21, s3  }
0x9d: {  	[timem:s7], [sflag:s22] =	dma.local [hbm:s5], s20  }
0x9e: {  	_ =	swait.ge [sflag:s22], s20  }
0x9f: {  	s4 =	ssub.s32 $0x0, s20;
	[sflag:s22] =	ssyncset.done $0x0  }
0xa0: {  	[sflag:s22] =	ssyncadd.s32 s4;
	_ =	sdelay $0x1  }
0xa1: {  	s23 =	simm.s32 $0x1B8B  }
0xa2: {  	_ =	swait.ge [sflag:s23], $0x1  }
0xa3: {  	[sflag:s23] =	ssyncset.done $0x0  }
0xa4: {  	s25 =	simm.s32 $0x1B8E;
	s24 =	sld [smem:$0x3FFE];
	[sflag:s23] =	ssyncadd.s32 $0xFFFFFFFF  }
0xa5: {  	s26 =	simm.s32 $execute0_lowered;
	[smem:$0x3FD2] =	sst s25  }
0xa6: {  	s5 =	sshll.u32 s26, $0x1;
	_ =	strace $0x80000046;
	[dreg:$0x1] =	wrdreg $0xFFFFFFFF  }
0xa7: {  	s28 =	simm.s32 $_size_execute0_lowered;
	s3 =	sadd.s32 s3, s5;
	[dreg:$0x0] =	wrdreg $0x0  }
0xa8: {  	s5 =	sshll.u32 s28, $0x1;
	[dreg:$0x2] =	wrdreg s3  }
0xa9: {  	[dreg:$0x3] =	wrdreg s5  }
0xaa: {  	[dreg:$0x4] =	wrdreg $0xC0  }
0xab: {  	_ =	task [dreg:s7], $0x5FFFF  }
0xac: {  	[dreg:$0x1] =	wrdreg $0xFFFFFFFF  }
0xad: {  	[dreg:$0x0] =	wrdreg $0x60  }
0xae: {  	[dreg:$0x2] =	wrdreg s24  }
0xaf: {  	[dreg:$0x3] =	wrdreg s2  }
0xb0: {  	[dreg:$0x4] =	wrdreg $0x9  }
0xb1: {  	_ =	task.clear_ibuf [dreg:s7], $0x5FFFF;
	_ =	strace $0x90000046  }
0xb2: {  	s29 =	simm.s32 $0x9;
	_ =	strace $0x80000048  }
0xb3: {  	_ =	swait.ge [sflag:s29], $0x1  }
0xb4: {  	[sflag:s29] =	ssyncadd.s32 $0xFFFFFFFF  }
0xb5: {  	_ =	strace $0x90000048  }
0xb6: {  	_ =	sfence  }
0xb7: {  	s30 =	sld [smem:$0x0];
	_ =	sdelay $0x2  }
0xb8: {  	s31 =	sshll.u32 s1, $0xD;
	s1 =	sshrl.u32 s1, $0x2  }
0xb9: {  	s3 =	sand.u32 $0x4000, s31;
	s1 =	sadd.s32 s1, s30  }
0xba: {  	s0 =	sor.u32 s3, s0;
	s1 =	sshll.u32 s1, $0x11  }
0xbb: {  	s0 =	sor.u32 s1, s0  }
0xbc: {  	s0 =	sadd.s32 $0x8F2B, s0  }
0xbd: {  	[sflag:s0] =	ssyncadd.remote.s32 $0x1  }
0xbe: {  	_ =	sfence.sel $0xFFFF  }
0xbf: {  	[dreg:$0x0] =	wrdreg $0xFFFFFFFF;
	(pc) =	sbr.abs _section_cstart, $3  }
0xc0: {  	[dreg:$0x1] =	wrdreg $0xFFFFFFFF  }
0xc1: {  	_ =	task.clear_ibuf [dreg:s7], $0x2FFFF;
	_ =	strace $0x9FFFFFFF  }
0xc2: {  	(tm) =	ssettm $0x7FFFFFFF  }
0xc3: {  	_ =	shalt  }
tec
execute0_lowered:
.L_overlay_start_1:
0x0: {  	(tag) =	ssettag $0x1  }
0x1: {  	s4 =	rddreg [dreg:$0x0]  }
0x2: {  	s0 =	srdreg.scid;
	s5 =	rddreg [dreg:$0x1]  }
0x3: {  	s2 =	simm.s32 $0x0;
	s10 =	simm.s32 $0x80;
	s3 =	sand.u32 $0x1, s0  }
0x4: {  	s11 =	simm.s32 $0x400;
	s0 =	stileid.u32;
	s1 =	sshll.u32 s3, $0x4  }
0x5: {  	s12 =	simm.s32 $0x0;
	[smem:$0x7FF] =	sst s2;
	s6 =	sor.u32 s0, s1  }
0x6: {  	s8 =	sshll.u32 s0, $0x7;
	s7 =	sshrl.u32 s6, $0x3;
	s6 =	smul.u32 $0x4E2, s6  }
0x7: {  	s3 =	ssub.s32 $0x2, s3;
	s1 =	rddreg [dreg:$0x2];
	s7 =	smul.u32 $0x13C00, s7  }
0x8: {  	s8 =	sand.u32 $0x380, s8;
	_ =	strace $0x80000047;
	s9 =	sshrl.u32 s3, $0x1  }
0x9: {  	s9 =	ssub.s32 s3, s9;
	s31 =	sadd.s32 s6, s4;
	s7 =	sor.u32 s8, s7  }
0xa: {  	s3 =	sadd.s32 $0x1E00, s31;
	s8 =	simm.s32 $0x2780;
	s7 =	sshrl.u32 s7, $0x3  }
0xb: {  	s7 =	sadd.s32 s7, s4;
	s4 =	sadd.s32 s5, s6;
	s6 =	smax.u32 s9, $0x1  }
0xc: {  	v0 =	vimm.f32 $0.0e+00;
	s9 =	simm.s32 $0x4F00;
	s5 =	sadd.s32 $0xBC00, s7;
	s7 =	simm.s32 $0x1  }
.LBB2_1:
0xd: {  	[tilespmem:s2], [sflag:$0x1] =	stream.linear.gather [hbm4b:s3+s2], $0x2710, $0x38;
	[tilespmem:$0x7680] =	vst v63  }
0xe: {  	_ =	swait.ge [sflag:s7], $0x2710  }
0xf: {  	[sflag:s7] =	ssyncset.done $0x0  }
0x10: {  	[sflag:s7] =	ssyncadd.s32 $0xFFFFD8F0  }
0x11: {  	[tilespmem:s8], [sflag:$0x1] =	stream.linear.gather [hbm4b:s4+s2], $0x2710, $0x38;
	[tilespmem:$0x7680] =	vst v63  }
0x12: {  	_ =	swait.ge [sflag:s7], $0x2710  }
0x13: {  	[sflag:s7] =	ssyncset.done $0x0  }
0x14: {  	s13 =	simm.s32 $0x0;
	[sflag:s7] =	ssyncadd.s32 $0xFFFFD8F0  }
.LBB2_2:
0x15: {  	p0 =	sne.s32 s13, $0x9C00  }
.Ltmp0:
0x16: {  	_ = 	snop;
	(pc) =	sbr.rel @p0 .LBB2_2-.Ltmp0, $3  }
0x17: {  	_ =	sdelay $0x1  }
0x18: {  	s14 =	sshra.s32 s13, $0x2  }
0x19: {  	s13 =	sadd.s32 $0x40, s13;
	[tilespmem:s14+$0x4F00] =	vst v0  }
0x1a: {  	s14 =	simm.s32 $0x20  }
0x1b: {  	v1 =	vld [tilespmem:s14+$0x20]  }
0x1c: {  	s13 =	simm.s32 $0x27A0;
	v3 =	vld [tilespmem:s14+$0xFFFFFFF0]  }
0x1d: {  	v2 =	vld [tilespmem:s13+$0x20]  }
0x1e: {  	v4 =	vld [tilespmem:s14+$0x0]  }
0x1f: {  	v5 =	vld [tilespmem:s14+$0xFFFFFFE0]  }
0x20: {  	v6 =	vld [tilespmem:s13+$0xFFFFFFE0]  }
0x21: {  	v7 =	vld [tilespmem:s13+$0xFFFFFFF0]  }
0x22: {  	v8 =	vld [tilespmem:s13+$0x0]  }
0x23: {  	[tilespmem:v1+s9+$0x0] =	vst.idx.add.f32.msk $0xffff, v2  }
0x24: {  	v2 =	vld [tilespmem:s13+$0x10]  }
0x25: {  	v1 =	vld [tilespmem:s14+$0x10]  }
0x26: {  	[tilespmem:v3+s9+$0x0] =	vst.idx.add.f32.msk $0xffff, v7  }
0x27: {  	[tilespmem:v5+s9+$0x0] =	vst.idx.add.f32.msk $0xffff, v6  }
0x28: {  	s15 =	simm.s32 $0x70;
	s14 =	simm.s32 $0x0;
	[tilespmem:v4+s9+$0x0] =	vst.idx.add.f32.msk $0xffff, v8  }
.LBB2_4:
0x29: {  	v3 =	vld [tilespmem:s15+$0x20];
	s14 =	sadd.s32 $0x5, s14;
	v4 =	vmov v2  }
0x2a: {  	v5 =	vld [tilespmem:s15+$0xFFFFFFF0];
	p0 =	slt.u32 s14, $0x26C  }
0x2b: {  	s13 =	sadd.s32 $0x50, s13;
	v6 =	vld [tilespmem:s15+$0x0]  }
0x2c: {  	v2 =	vld [tilespmem:s13+$0x20]  }
0x2d: {  	v7 =	vld [tilespmem:s15+$0x10]  }
0x2e: {  	v8 =	vld [tilespmem:s15+$0xFFFFFFE0]  }
0x2f: {  	v9 =	vld [tilespmem:s13+$0xFFFFFFE0]  }
0x30: {  	v10 =	vld [tilespmem:s13+$0xFFFFFFF0]  }
0x31: {  	[tilespmem:v3+s9+$0x0] =	vst.idx.add.f32.msk $0xffff, v2  }
0x32: {  	v3 =	vld [tilespmem:s13+$0x0]  }
.Ltmp1:
0x33: {  	v2 =	vld [tilespmem:s13+$0x10];
	(pc) =	sbr.rel @p0 .LBB2_4-.Ltmp1, $4  }
0x34: {  	[tilespmem:v1+s9+$0x0] =	vst.idx.add.f32.msk $0xffff, v4;
	v1 =	vmov v7  }
0x35: {  	[tilespmem:v5+s9+$0x0] =	vst.idx.add.f32.msk $0xffff, v10  }
0x36: {  	[tilespmem:v8+s9+$0x0] =	vst.idx.add.f32.msk $0xffff, v9  }
0x37: {  	s15 =	sadd.s32 $0x50, s15;
	[tilespmem:v6+s9+$0x0] =	vst.idx.add.f32.msk $0xffff, v3  }
0x38: {  	_ =	sdelay $0x1  }
0x39: {  	s12 =	sadd.s32 $0x1, s12  }
0x3a: {  	p0 =	sne.s32 s12, s6  }
.Ltmp2:
0x3b: {  	[tilespmem:v1+s9+$0x0] =	vst.idx.add.f32.msk $0xffff, v2;
	(pc) =	sbr.rel @p0 .LBB2_1-.Ltmp2, $4  }
0x3c: {  	[hbm4b:s5+s10] =	stream.strided.scatter [tilespmem:s9], [sflag:$0x1], $0x2780, s11, s10, $0x38;
	[tilespmem:$0x7680] =	vst v63  }
0x3d: {  	_ =	swait.ge [sflag:s7], $0x2780  }
0x3e: {  	[sflag:s7] =	ssyncset.done $0x0  }
0x3f: {  	[sflag:s7] =	ssyncadd.s32 $0xFFFFD880  }
0x40: {  	_ =	sfence.sel $0x180000  }
0x41: {  	[bflag:$0x0] =	sbarrier.arrive $0xFFFF  }
0x42: {  	p0 =	sne.s32 s0, $0x0;
	_ =	strace $0x90000047  }
0x43: {  	s0 =	sadd.s32 @!p0 $0x100000, s1;
	[bflag:$0x2] =	sbarrier.arrive $0xFFFF  }
0x44: {  	[sflag:s0] =	ssyncadd.tile.s32 @!p0 $0x1;
	_ =	shalt  }
.Lfunc_end2:
_tile_overlayer_lowered:
.L_overlay_start_2:
0x45: {  	(tag) =	ssettag $0x2  }
0x46: {  	s0 =	rddreg [dreg:$0x0];
	s2 =	stileid.u32  }
0x47: {  	s1 =	rddreg [dreg:$0x1];
	p0 =	sne.s32 s2, $0x0  }
0x48: {  	s3 =	rddreg [dreg:$0x2];
	[bflag:$0x3] =	sbarrier.arrive $0xFFFF;
	s2 =	simm.s32 @!p0 $0x1C01  }
0x49: {  	[timem:s3], [sflag:s2] =	dma.local @!p0 [hbm:s0], s1  }
0x4a: {  	s0 =	simm.s32 @!p0 $0x1  }
0x4b: {  	_ =	swait.ge @!p0 [sflag:s0], s1  }
0x4c: {  	s1 =	ssub.s32 @!p0 $0x0, s1;
	[sflag:s0] =	ssyncset.done @!p0 $0x0  }
0x4d: {  	[sflag:s0] =	ssyncadd.s32 @!p0 s1  }
0x4e: {  	[bflag:$0x3] =	sbarrier.arrive $0xFFFF  }
0x4f: {  	_ =	shalt  }

</sc_bundles>
